<compile_context>
chip_gen: v7x
topology: tpu7x:2x2x1
jax: 0.10.2.dev20260603
libtpu: 0.0.44.dev20260713+nightly
codegen_flags: <defaults>
</compile_context>

<pallas_src>
import dataclasses
import functools

import jax
import jax.numpy as jnp
from jax import lax
from jax.experimental import pallas as pl
from jax.experimental.pallas import tpu as pltpu
from jax.experimental.pallas import tpu_sc as plsc

N = 10000
P = 10240
F = 1280
D = 512
G = 16
CLS = 40
BI = 512
BKC = 512
NI = P // BI
NKC = P // BKC



def _stage1_kernel(x_ref, w1_ref, b1_ref, h_ref, xn_ref):
    i = pl.program_id(0)
    acc = jnp.dot(x_ref[...], w1_ref[...], preferred_element_type=jnp.float32)
    h = jnp.maximum(acc + b1_ref[...], 0.0)
    rows = i * BI + lax.broadcasted_iota(jnp.int32, (BI, 1), 0)
    h = jnp.where(rows < N, h, 0.0)
    nrm = jnp.sqrt(jnp.sum(h * h, axis=1, keepdims=True))
    xn = h / jnp.maximum(nrm, 1e-12)
    h_ref[...] = h.astype(jnp.bfloat16)
    xn_ref[...] = xn.astype(jnp.bfloat16)


def _stage1(x_p, w1, b1):
    return pl.pallas_call(
        _stage1_kernel,
        grid=(NI,),
        in_specs=[
            pl.BlockSpec((BI, F), lambda i: (i, 0)),
            pl.BlockSpec((F, D), lambda i: (0, 0)),
            pl.BlockSpec((1, D), lambda i: (0, 0)),
        ],
        out_specs=[
            pl.BlockSpec((BI, D), lambda i: (i, 0)),
            pl.BlockSpec((BI, D), lambda i: (i, 0)),
        ],
        out_shape=[
            jax.ShapeDtypeStruct((P, D), jnp.bfloat16),
            jax.ShapeDtypeStruct((P, D), jnp.bfloat16),
        ],
    )(x_p, w1, b1.reshape(1, D))


def _prop_kernel(beta_ref, xn_ref, h_ref, c_ref, oh_ref, ohb_ref, oxn_ref,
                 acc_ref, den_ref):
    i = pl.program_id(0)
    k = pl.program_id(1)

    @pl.when(k == 0)
    def _():
        acc_ref[...] = jnp.zeros_like(acc_ref)
        den_ref[...] = jnp.zeros_like(den_ref)

    xni = xn_ref[pl.ds(i * BI, BI), :] * beta_ref[0, 0].astype(jnp.bfloat16)
    xnk = xn_ref[pl.ds(k * BKC, BKC), :]
    hk = h_ref[pl.ds(k * BKC, BKC), :]
    s = lax.dot_general(xni, xnk, (((1,), (1,)), ((), ())),
                        preferred_element_type=jnp.float32)
    e = jnp.exp(s)
    w = c_ref[...] * e
    acc_ref[...] += jnp.dot(w.astype(jnp.bfloat16), hk,
                            preferred_element_type=jnp.float32)
    den_ref[...] += jnp.sum(w, axis=1, keepdims=True)

    @pl.when(k == pl.num_programs(1) - 1)
    def _():
        o = acc_ref[...] / jnp.maximum(den_ref[...], 1e-16)
        oh_ref[...] = o
        ohb_ref[...] = o.astype(jnp.bfloat16)
        nrm = jnp.sqrt(jnp.sum(o * o, axis=1, keepdims=True))
        oxn_ref[...] = (o / jnp.maximum(nrm, 1e-12)).astype(jnp.bfloat16)


def _prop(xn_b, h_b, cmat, beta):
    return pl.pallas_call(
        _prop_kernel,
        grid=(NI, NKC),
        in_specs=[
            pl.BlockSpec(memory_space=pltpu.SMEM),
            pl.BlockSpec((P, D), lambda i, k: (0, 0)),
            pl.BlockSpec((P, D), lambda i, k: (0, 0)),
            pl.BlockSpec((BI, BKC), lambda i, k: (i, k)),
        ],
        out_specs=[
            pl.BlockSpec((BI, D), lambda i, k: (i, 0)),
            pl.BlockSpec((BI, D), lambda i, k: (i, 0)),
            pl.BlockSpec((BI, D), lambda i, k: (i, 0)),
        ],
        out_shape=[
            jax.ShapeDtypeStruct((P, D), jnp.float32),
            jax.ShapeDtypeStruct((P, D), jnp.bfloat16),
            jax.ShapeDtypeStruct((P, D), jnp.bfloat16),
        ],
        scratch_shapes=[
            pltpu.VMEM((BI, D), jnp.float32),
            pltpu.VMEM((BI, 1), jnp.float32),
        ],
    )(beta, xn_b, h_b, cmat)


def _stage3_kernel(batch_ref, h_ref, w2_ref, b2_ref, w3_ref, b3_ref,
                   out_ref, gmax_ref, gsum_ref, cnt_ref):
    i = pl.program_id(0)

    @pl.when(i == 0)
    def _():
        gmax_ref[...] = jnp.full_like(gmax_ref, -3.4e38)
        gsum_ref[...] = jnp.zeros_like(gsum_ref)
        cnt_ref[...] = jnp.zeros_like(cnt_ref)

    z = jnp.maximum(
        jnp.dot(h_ref[...], w2_ref[...], preferred_element_type=jnp.float32)
        + b2_ref[...], 0.0)
    b = batch_ref[0]
    onehot = (b == lax.broadcasted_iota(jnp.int32, (1, G), 1)
              ).astype(jnp.float32)
    gsum_ref[...] += lax.dot_general(onehot, z, (((0,), (0,)), ((), ())),
                                     preferred_element_type=jnp.float32)
    cnt_ref[...] += lax.dot_general(onehot, jnp.ones((onehot.shape[0], 1), jnp.float32),
                                    (((0,), (0,)), ((), ())),
                                    preferred_element_type=jnp.float32)
    for g in range(G):
        m = jnp.where(b == g, z, -3.4e38)
        mg = jnp.max(m, axis=0, keepdims=True)
        gmax_ref[pl.ds(g, 1), :] = jnp.maximum(gmax_ref[pl.ds(g, 1), :], mg)

    @pl.when(i == pl.num_programs(0) - 1)
    def _():
        cnt = cnt_ref[...]
        gmaxv = jnp.where(cnt > 0, gmax_ref[...], 0.0)
        gmean = gsum_ref[...] / jnp.maximum(cnt, 1.0)
        gcat = jnp.concatenate([gmaxv, gmean], axis=1)
        out_ref[...] = jnp.dot(gcat, w3_ref[...],
                               preferred_element_type=jnp.float32) + b3_ref[...]


def _stage3(batch_p, h3, w2, b2, w3, b3):
    d2 = w2.shape[1]
    return pl.pallas_call(
        _stage3_kernel,
        grid=(NI,),
        in_specs=[
            pl.BlockSpec((1, BI, 1), lambda i: (i, 0, 0)),
            pl.BlockSpec((BI, D), lambda i: (i, 0)),
            pl.BlockSpec((D, d2), lambda i: (0, 0)),
            pl.BlockSpec((1, d2), lambda i: (0, 0)),
            pl.BlockSpec((2 * d2, CLS), lambda i: (0, 0)),
            pl.BlockSpec((1, CLS), lambda i: (0, 0)),
        ],
        out_specs=pl.BlockSpec((G, CLS), lambda i: (0, 0)),
        out_shape=jax.ShapeDtypeStruct((G, CLS), jnp.float32),
        scratch_shapes=[
            pltpu.VMEM((G, d2), jnp.float32),
            pltpu.VMEM((G, d2), jnp.float32),
            pltpu.VMEM((G, 1), jnp.float32),
        ],
    )(batch_p, h3, w2, b2.reshape(1, d2), w3, b3.reshape(1, CLS))



_NC, _NS, _LL = 2, 16, 16
_R = 128
_NCHUNK = P // _R
_CHUNK = _R * P
_TSL = _CHUNK // _NS
_ZB = 4096


_BLK = 256


def _cbuild_body(src_hbm, dst_hbm, c_hbm, srcv, dstv, idxc, idxcb, onesv,
                 minusv, zerov, digv, dig1v, digmv, curref, chunk_ref):
    cid = lax.axis_index("c")
    sid = lax.axis_index("s")
    ept = srcv.shape[0]
    lanes = lax.iota(jnp.int32, _LL)
    dump = jnp.full((_LL,), _CHUNK, jnp.int32) + lanes

    pltpu.sync_copy(src_hbm.at[pl.ds(sid * ept, ept)], srcv)
    pltpu.sync_copy(dst_hbm.at[pl.ds(sid * ept, ept)], dstv)

    @pl.loop(0, _BLK // _LL)
    def _(j):
        onesv[pl.ds(j * _LL, _LL)] = jnp.full((_LL,), 1.0, jnp.float32)
        minusv[pl.ds(j * _LL, _LL)] = jnp.full((_LL,), -1.0, jnp.float32)

    @pl.loop(0, _ZB // _LL)
    def _(j):
        zerov[pl.ds(j * _LL, _LL)] = jnp.zeros((_LL,), jnp.float32)

    @pl.loop(0, _R // _LL)
    def _(j):
        dig1v[pl.ds(j * _LL, _LL)] = jnp.full((_LL,), 1.0, jnp.float32)
        digmv[pl.ds(j * _LL, _LL)] = jnp.full((_LL,), -1.0, jnp.float32)

    @pl.loop(0, (ept + _LL) // _LL)
    def _(j):
        idxc[pl.ds(j * _LL, _LL)] = dump

    @pl.loop(0, _TSL // _ZB)
    def _(z):
        pltpu.sync_copy(zerov, chunk_ref.at[pl.ds(sid * _TSL + z * _ZB, _ZB)])
    @pl.when(sid == 0)
    def _():
        pltpu.sync_copy(zerov.at[pl.ds(0, 64)], chunk_ref.at[pl.ds(_CHUNK, 64)])
    plsc.subcore_barrier()

    @pl.loop(0, _NCHUNK // _NC)
    def _(jc):
        chunk = jc * _NC + cid
        base = chunk * _R
        curref[0] = 0

        @pl.loop(0, ept // _LL)
        def _(j):
            d = dstv[pl.ds(j * _LL, _LL)]
            s = srcv[pl.ds(j * _LL, _LL)]
            m = (d >= base) & (d < base + _R)
            f = (d - base) * P + s
            cur = curref[0]
            plsc.store_compressed(idxc.at[pl.ds(cur, _LL)], f, mask=m)
            curref[0] = cur + jnp.max(
                plsc.all_reduce_population_count(m))
        cnt = curref[0]
        nblk = (cnt + _BLK - 1) // _BLK

        def _scatter(payload):
            @pl.loop(0, nblk)
            def _(b):
                @pl.loop(0, _BLK // _LL)
                def _(j):
                    idxcb[pl.ds(j * _LL, _LL)] = idxc[pl.ds(b * _BLK + j * _LL, _LL)]
                pltpu.sync_copy(payload, chunk_ref.at[idxcb], add=True)

        _scatter(onesv)
        @pl.when(sid == 0)
        def _():
            @pl.loop(0, _R // _LL)
            def _(j):
                r0 = j * _LL + lanes
                dd = base + r0
                f = jnp.where(dd < N, r0 * P + dd, dump)
                digv[pl.ds(j * _LL, _LL)] = f
            pltpu.sync_copy(dig1v, chunk_ref.at[digv], add=True)
        plsc.subcore_barrier()
        pltpu.sync_copy(
            chunk_ref.at[pl.ds(sid * _TSL, _TSL)],
            c_hbm.at[pl.ds(chunk * _CHUNK + sid * _TSL, _TSL)])
        plsc.subcore_barrier()
        _scatter(minusv)

        @pl.when(sid == 0)
        def _():
            pltpu.sync_copy(digmv, chunk_ref.at[digv], add=True)

        @pl.loop(0, (cnt + _LL - 1) // _LL)
        def _(j):
            idxc[pl.ds(j * _LL, _LL)] = dump
        plsc.subcore_barrier()


def _build_cmat(edge_index):
    e = edge_index.shape[1]
    ept = e // _NS
    cp = pltpu.CompilerParams()
    if "needs_layout_passes" in pltpu.CompilerParams.__dataclass_fields__:
        cp = dataclasses.replace(cp, needs_layout_passes=False)
    kern = functools.partial(
        pl.kernel,
        out_type=jax.ShapeDtypeStruct((P * P,), jnp.float32),
        compiler_params=cp,
        mesh=plsc.VectorSubcoreMesh(core_axis_name="c", subcore_axis_name="s"),
        scratch_types=[
            pltpu.VMEM((ept,), jnp.int32),
            pltpu.VMEM((ept,), jnp.int32),
            pltpu.VMEM((ept + _LL,), jnp.int32),
            pltpu.VMEM((_BLK,), jnp.int32),
            pltpu.VMEM((_BLK,), jnp.float32),
            pltpu.VMEM((_BLK,), jnp.float32),
            pltpu.VMEM((_ZB,), jnp.float32),
            pltpu.VMEM((_R,), jnp.int32),
            pltpu.VMEM((_R,), jnp.float32),
            pltpu.VMEM((_R,), jnp.float32),
            pltpu.SMEM((1,), jnp.int32),
            pltpu.VMEM_SHARED((_CHUNK + 64,), jnp.float32),
        ],
    )(_cbuild_body)
    return kern(edge_index[0], edge_index[1]).reshape(P, P)


def kernel(x, edge_index, batch, w1, b1, beta2, w2, b2, w3, b3):
    x_p = jnp.pad(x, ((0, P - N), (0, 0)))
    batch_p = jnp.pad(batch, (0, P - N), constant_values=G)
    batch_p = batch_p.reshape(NI, BI, 1)
    cmat = _build_cmat(edge_index)
    h1b, xn1b = _stage1(x_p, w1, b1)
    _, h2b, xn2b = _prop(xn1b, h1b, cmat, jnp.ones((1, 1), jnp.float32))
    h3, _, _ = _prop(xn2b, h2b, cmat, beta2.reshape(1, 1))
    return _stage3(batch_p, h3, w2, b2, w3, b3)

# --- scband reference (transcript-rebuilt; emitter-appended) ---
"""Pipeline reference for scband-model-47991964566123 (READ-ONLY COPY).

The authoritative reference and input builder live on the scoring server;
editing this copy changes nothing except your own understanding.
"""

import jax, jax.numpy as jnp
import numpy as np

N = 10000
E = 160000
NUM_GRAPHS = 16
NUM_FEATURES = 1280
NUM_CLASSES = 40


def setup_inputs(seed: int = 0) -> dict:
    key = jax.random.key(seed)
    ks = jax.random.split(key, 10)
    x = jax.random.normal(ks[0], (N, NUM_FEATURES), dtype=jnp.float32)
    edge_index = jax.random.randint(ks[1], (2, E), 0, N, dtype=jnp.int32)
    batch = jnp.sort(jax.random.randint(ks[2], (N,), 0, NUM_GRAPHS, dtype=jnp.int32))
    w1 = jax.random.normal(ks[3], (NUM_FEATURES, 512), dtype=jnp.float32) * 0.02
    b1 = jnp.zeros((512,), dtype=jnp.float32)
    beta2 = jnp.ones((1,), dtype=jnp.float32)
    w2 = jax.random.normal(ks[4], (512, 256), dtype=jnp.float32) * 0.02
    b2 = jnp.zeros((256,), dtype=jnp.float32)
    w3 = jax.random.normal(ks[5], (512, NUM_CLASSES), dtype=jnp.float32) * 0.02
    b3 = jnp.zeros((NUM_CLASSES,), dtype=jnp.float32)
    return {"x": x, "edge_index": edge_index, "batch": batch,
            "w1": w1, "b1": b1, "beta2": beta2, "w2": w2, "b2": b2,
            "w3": w3, "b3": b3}


def _agnn_prop(x, src, dst, beta):
    n = x.shape[0]
    xn = x / jnp.clip(jnp.linalg.norm(x, axis=-1, keepdims=True), 1e-12)
    alpha = beta * jnp.sum(xn[src] * xn[dst], axis=-1)
    amax = jax.ops.segment_max(alpha, dst, num_segments=n)
    amax = jnp.where(jnp.isfinite(amax), amax, 0.0)
    ex = jnp.exp(alpha - amax[dst])
    denom = jax.ops.segment_sum(ex, dst, num_segments=n)
    coef = ex / jnp.clip(denom[dst], 1e-16)
    return jax.ops.segment_sum(coef[:, None] * x[src], dst, num_segments=n)


def reference(x, edge_index, batch, w1, b1, beta2, w2, b2, w3, b3):
    n = x.shape[0]
    loops = jnp.arange(n, dtype=edge_index.dtype)
    src = jnp.concatenate([edge_index[0], loops])
    dst = jnp.concatenate([edge_index[1], loops])
    h = jax.nn.relu(x @ w1 + b1)
    h = _agnn_prop(h, src, dst, 1.0)          # prop1: beta fixed (requires_grad=False)
    h = _agnn_prop(h, src, dst, beta2[0])     # prop2: learnable beta
    h = jax.nn.relu(h @ w2 + b2)
    gmax = jax.ops.segment_max(h, batch, num_segments=NUM_GRAPHS)
    gmax = jnp.where(jnp.isfinite(gmax), gmax, 0.0)
    gsum = jax.ops.segment_sum(h, batch, num_segments=NUM_GRAPHS)
    cnt = jax.ops.segment_sum(jnp.ones((n, 1), h.dtype), batch, num_segments=NUM_GRAPHS)
    gmean = gsum / jnp.clip(cnt, 1.0)
    g = jnp.concatenate([gmax, gmean], axis=1)
    return g @ w3 + b3

if __name__ == "__main__":
    import jax
    _d = setup_inputs()
    print(jax.jit(kernel)(*tuple(_d.values())))

</pallas_src>

<mosaic_0001>
#map = affine_map<(d0, d1) -> (0)>
module attributes {stable_mosaic.version = 14 : i64} {
  func.func @_cbuild_body(%arg0: i32, %arg1: i32, %arg2: memref<160000xi32, #tpu.memory_space<hbm>>, %arg3: memref<160000xi32, #tpu.memory_space<hbm>>, %arg4: memref<104857600xf32, #tpu.memory_space<hbm>>, %arg5: memref<10000xi32, #tpu.memory_space<vmem>>, %arg6: memref<10000xi32, #tpu.memory_space<vmem>>, %arg7: memref<10016xi32, #tpu.memory_space<vmem>>, %arg8: memref<256xi32, #tpu.memory_space<vmem>>, %arg9: memref<256xf32, #tpu.memory_space<vmem>>, %arg10: memref<256xf32, #tpu.memory_space<vmem>>, %arg11: memref<4096xf32, #tpu.memory_space<vmem>>, %arg12: memref<128xi32, #tpu.memory_space<vmem>>, %arg13: memref<128xf32, #tpu.memory_space<vmem>>, %arg14: memref<128xf32, #tpu.memory_space<vmem>>, %arg15: memref<1xi32, #tpu.memory_space<smem>>, %arg16: memref<1310784xf32, #tpu.memory_space<vmem_shared>>) attributes {dimension_semantics = [#tpu.dimension_semantics<core_parallel>, #tpu.dimension_semantics<subcore_parallel>], iteration_bounds = array<i64: 2, 16>, scalar_prefetch = 0 : i64, scratch_operands = 12 : i64, tpu.core_type = #tpu.core_type<sc_vector_subcore>, window_params = [{transform_indices = #map}, {transform_indices = #map}, {transform_indices = #map}]} {
    %iota3A = tpu.iota {dimensions = array<i32: 0>} : vector<16xi32>
    %broadcast_in_dim3A = arith.constant 1310720 : i32
    %broadcast_in_dim3A_0 = vector.broadcast %broadcast_in_dim3A : i32 to vector<16xi32>
    %add3A = arith.addi %broadcast_in_dim3A_0, %iota3A : vector<16xi32>
    %mul3A = arith.constant 10000 : i32
    %mul3A_1 = arith.muli %arg1, %mul3A : i32
    "tpu.region"() ({
      %run_scoped3A = tpu.sem_alloc : memref<!tpu.dma_semaphore, #tpu.memory_space<semaphore_mem>>
      %dma_start3A = tpu.memref_slice %arg2[%mul3A_1] : memref<160000xi32, #tpu.memory_space<hbm>> -> memref<10000xi32, #tpu.memory_space<hbm>>
      %dma_start3A_35 = tpu.memref_slice %arg2[%mul3A_1] : memref<160000xi32, #tpu.memory_space<hbm>> -> memref<10000xi32, #tpu.memory_space<hbm>>
      tpu.enqueue_dma source(%dma_start3A_35 : memref<10000xi32, #tpu.memory_space<hbm>>) target(%arg5 : memref<10000xi32, #tpu.memory_space<vmem>>) target_semaphore(%run_scoped3A : memref<!tpu.dma_semaphore, #tpu.memory_space<semaphore_mem>>)
      %dma_wait3A = tpu.memref_slice %arg2[%mul3A_1] : memref<160000xi32, #tpu.memory_space<hbm>> -> memref<10000xi32, #tpu.memory_space<hbm>>
      %dma_wait3A_36 = tpu.memref_slice %arg2[%mul3A_1] : memref<160000xi32, #tpu.memory_space<hbm>> -> memref<10000xi32, #tpu.memory_space<hbm>>
      tpu.wait_dma2 semaphore(%run_scoped3A : memref<!tpu.dma_semaphore, #tpu.memory_space<semaphore_mem>>) src(%dma_wait3A_36 : memref<10000xi32, #tpu.memory_space<hbm>>) dst(%arg5 : memref<10000xi32, #tpu.memory_space<vmem>>)
      tpu.yield
    }) : () -> ()
    %mul3A_2 = arith.constant 10000 : i32
    %mul3A_3 = arith.muli %arg1, %mul3A_2 : i32
    "tpu.region"() ({
      %run_scoped3A = tpu.sem_alloc : memref<!tpu.dma_semaphore, #tpu.memory_space<semaphore_mem>>
      %dma_start3A = tpu.memref_slice %arg3[%mul3A_3] : memref<160000xi32, #tpu.memory_space<hbm>> -> memref<10000xi32, #tpu.memory_space<hbm>>
      %dma_start3A_35 = tpu.memref_slice %arg3[%mul3A_3] : memref<160000xi32, #tpu.memory_space<hbm>> -> memref<10000xi32, #tpu.memory_space<hbm>>
      tpu.enqueue_dma source(%dma_start3A_35 : memref<10000xi32, #tpu.memory_space<hbm>>) target(%arg6 : memref<10000xi32, #tpu.memory_space<vmem>>) target_semaphore(%run_scoped3A : memref<!tpu.dma_semaphore, #tpu.memory_space<semaphore_mem>>)
      %dma_wait3A = tpu.memref_slice %arg3[%mul3A_3] : memref<160000xi32, #tpu.memory_space<hbm>> -> memref<10000xi32, #tpu.memory_space<hbm>>
      %dma_wait3A_36 = tpu.memref_slice %arg3[%mul3A_3] : memref<160000xi32, #tpu.memory_space<hbm>> -> memref<10000xi32, #tpu.memory_space<hbm>>
      tpu.wait_dma2 semaphore(%run_scoped3A : memref<!tpu.dma_semaphore, #tpu.memory_space<semaphore_mem>>) src(%dma_wait3A_36 : memref<10000xi32, #tpu.memory_space<hbm>>) dst(%arg6 : memref<10000xi32, #tpu.memory_space<vmem>>)
      tpu.yield
    }) : () -> ()
    %scan3A = arith.constant 0 : i32
    %scan3A_4 = arith.constant 16 : i32
    %scan3A_5 = arith.addi %scan3A, %scan3A_4 : i32
    %scan3A_6 = arith.constant 1 : i32
    scf.for %scan3A_35 = %scan3A to %scan3A_5 step %scan3A_6  : i32 {
      %mul3A_36 = arith.constant 1 : i32
      %mul3A_37 = arith.muli %scan3A_35, %mul3A_36 : i32
      %add3A_38 = arith.constant 0 : i32
      %add3A_39 = arith.addi %add3A_38, %mul3A_37 : i32
      %broadcast_in_dim3A_40 = arith.constant 1.000000e+00 : f32
      %broadcast_in_dim3A_41 = vector.broadcast %broadcast_in_dim3A_40 : f32 to vector<16xf32>
      %mul3A_42 = arith.constant 16 : i32
      %mul3A_43 = arith.muli %add3A_39, %mul3A_42 : i32
      %swap3A = arith.index_cast %mul3A_43 : i32 to index
      %swap3A_44 = tpu.vector_load %arg9[%swap3A] {strides = array<i32>} : memref<256xf32, #tpu.memory_space<vmem>>, vector<16xf32>,
      tpu.vector_store %arg9[%swap3A], %broadcast_in_dim3A_41 {strides = array<i32>} : memref<256xf32, #tpu.memory_space<vmem>>, vector<16xf32>,
      %broadcast_in_dim3A_45 = arith.constant -1.000000e+00 : f32
      %broadcast_in_dim3A_46 = vector.broadcast %broadcast_in_dim3A_45 : f32 to vector<16xf32>
      %mul3A_47 = arith.constant 16 : i32
      %mul3A_48 = arith.muli %add3A_39, %mul3A_47 : i32
      %swap3A_49 = arith.index_cast %mul3A_48 : i32 to index
      %swap3A_50 = tpu.vector_load %arg10[%swap3A_49] {strides = array<i32>} : memref<256xf32, #tpu.memory_space<vmem>>, vector<16xf32>,
      tpu.vector_store %arg10[%swap3A_49], %broadcast_in_dim3A_46 {strides = array<i32>} : memref<256xf32, #tpu.memory_space<vmem>>, vector<16xf32>,
    }
    %scan3A_7 = arith.constant 16 : i32
    %scan3A_8 = arith.constant 0 : i32
    %scan3A_9 = arith.constant 256 : i32
    %scan3A_10 = arith.addi %scan3A_8, %scan3A_9 : i32
    %scan3A_11 = arith.constant 1 : i32
    scf.for %scan3A_35 = %scan3A_8 to %scan3A_10 step %scan3A_11  : i32 {
      %mul3A_36 = arith.constant 1 : i32
      %mul3A_37 = arith.muli %scan3A_35, %mul3A_36 : i32
      %add3A_38 = arith.constant 0 : i32
      %add3A_39 = arith.addi %add3A_38, %mul3A_37 : i32
      %broadcast_in_dim3A_40 = arith.constant 0.000000e+00 : f32
      %broadcast_in_dim3A_41 = vector.broadcast %broadcast_in_dim3A_40 : f32 to vector<16xf32>
      %mul3A_42 = arith.constant 16 : i32
      %mul3A_43 = arith.muli %add3A_39, %mul3A_42 : i32
      %swap3A = arith.index_cast %mul3A_43 : i32 to index
      %swap3A_44 = tpu.vector_load %arg11[%swap3A] {strides = array<i32>} : memref<4096xf32, #tpu.memory_space<vmem>>, vector<16xf32>,
      tpu.vector_store %arg11[%swap3A], %broadcast_in_dim3A_41 {strides = array<i32>} : memref<4096xf32, #tpu.memory_space<vmem>>, vector<16xf32>,
    }
    %scan3A_12 = arith.constant 256 : i32
    %scan3A_13 = arith.constant 0 : i32
    %scan3A_14 = arith.constant 8 : i32
    %scan3A_15 = arith.addi %scan3A_13, %scan3A_14 : i32
    %scan3A_16 = arith.constant 1 : i32
    scf.for %scan3A_35 = %scan3A_13 to %scan3A_15 step %scan3A_16  : i32 {
      %mul3A_36 = arith.constant 1 : i32
      %mul3A_37 = arith.muli %scan3A_35, %mul3A_36 : i32
      %add3A_38 = arith.constant 0 : i32
      %add3A_39 = arith.addi %add3A_38, %mul3A_37 : i32
      %broadcast_in_dim3A_40 = arith.constant 1.000000e+00 : f32
      %broadcast_in_dim3A_41 = vector.broadcast %broadcast_in_dim3A_40 : f32 to vector<16xf32>
      %mul3A_42 = arith.constant 16 : i32
      %mul3A_43 = arith.muli %add3A_39, %mul3A_42 : i32
      %swap3A = arith.index_cast %mul3A_43 : i32 to index
      %swap3A_44 = tpu.vector_load %arg13[%swap3A] {strides = array<i32>} : memref<128xf32, #tpu.memory_space<vmem>>, vector<16xf32>,
      tpu.vector_store %arg13[%swap3A], %broadcast_in_dim3A_41 {strides = array<i32>} : memref<128xf32, #tpu.memory_space<vmem>>, vector<16xf32>,
      %broadcast_in_dim3A_45 = arith.constant -1.000000e+00 : f32
      %broadcast_in_dim3A_46 = vector.broadcast %broadcast_in_dim3A_45 : f32 to vector<16xf32>
      %mul3A_47 = arith.constant 16 : i32
      %mul3A_48 = arith.muli %add3A_39, %mul3A_47 : i32
      %swap3A_49 = arith.index_cast %mul3A_48 : i32 to index
      %swap3A_50 = tpu.vector_load %arg14[%swap3A_49] {strides = array<i32>} : memref<128xf32, #tpu.memory_space<vmem>>, vector<16xf32>,
      tpu.vector_store %arg14[%swap3A_49], %broadcast_in_dim3A_46 {strides = array<i32>} : memref<128xf32, #tpu.memory_space<vmem>>, vector<16xf32>,
    }
    %scan3A_17 = arith.constant 8 : i32
    %scan3A_18 = arith.constant 0 : i32
    %scan3A_19 = arith.constant 626 : i32
    %scan3A_20 = arith.addi %scan3A_18, %scan3A_19 : i32
    %scan3A_21 = arith.constant 1 : i32
    scf.for %scan3A_35 = %scan3A_18 to %scan3A_20 step %scan3A_21  : i32 {
      %mul3A_36 = arith.constant 1 : i32
      %mul3A_37 = arith.muli %scan3A_35, %mul3A_36 : i32
      %add3A_38 = arith.constant 0 : i32
      %add3A_39 = arith.addi %add3A_38, %mul3A_37 : i32
      %mul3A_40 = arith.constant 16 : i32
      %mul3A_41 = arith.muli %add3A_39, %mul3A_40 : i32
      %swap3A = arith.index_cast %mul3A_41 : i32 to index
      %swap3A_42 = tpu.vector_load %arg7[%swap3A] {strides = array<i32>} : memref<10016xi32, #tpu.memory_space<vmem>>, vector<16xi32>,
      tpu.vector_store %arg7[%swap3A], %add3A {strides = array<i32>} : memref<10016xi32, #tpu.memory_space<vmem>>, vector<16xi32>,
    }
    %scan3A_22 = arith.constant 626 : i32
    %scan3A_23 = arith.constant 0 : i32
    %scan3A_24 = arith.constant 20 : i32
    %scan3A_25 = arith.addi %scan3A_23, %scan3A_24 : i32
    %scan3A_26 = arith.constant 1 : i32
    scf.for %scan3A_35 = %scan3A_23 to %scan3A_25 step %scan3A_26  : i32 {
      %mul3A_36 = arith.constant 1 : i32
      %mul3A_37 = arith.muli %scan3A_35, %mul3A_36 : i32
      %add3A_38 = arith.constant 0 : i32
      %add3A_39 = arith.addi %add3A_38, %mul3A_37 : i32
      %mul3A_40 = arith.constant 81920 : i32
      %mul3A_41 = arith.muli %arg1, %mul3A_40 : i32
      %mul3A_42 = arith.constant 4096 : i32
      %mul3A_43 = arith.muli %add3A_39, %mul3A_42 : i32
      %add3A_44 = arith.addi %mul3A_41, %mul3A_43 : i32
      "tpu.region"() ({
        %run_scoped3A = tpu.sem_alloc : memref<!tpu.dma_semaphore, #tpu.memory_space<semaphore_mem>>
        %dma_start3A = tpu.memref_slice %arg16[%add3A_44] : memref<1310784xf32, #tpu.memory_space<vmem_shared>> -> memref<4096xf32, #tpu.memory_space<vmem_shared>>
        %dma_start3A_45 = tpu.memref_slice %arg16[%add3A_44] : memref<1310784xf32, #tpu.memory_space<vmem_shared>> -> memref<4096xf32, #tpu.memory_space<vmem_shared>>
        tpu.enqueue_dma source(%arg11 : memref<4096xf32, #tpu.memory_space<vmem>>) target(%dma_start3A_45 : memref<4096xf32, #tpu.memory_space<vmem_shared>>) target_semaphore(%run_scoped3A : memref<!tpu.dma_semaphore, #tpu.memory_space<semaphore_mem>>)
        %dma_wait3A = tpu.memref_slice %arg16[%add3A_44] : memref<1310784xf32, #tpu.memory_space<vmem_shared>> -> memref<4096xf32, #tpu.memory_space<vmem_shared>>
        %dma_wait3A_46 = tpu.memref_slice %arg16[%add3A_44] : memref<1310784xf32, #tpu.memory_space<vmem_shared>> -> memref<4096xf32, #tpu.memory_space<vmem_shared>>
        tpu.wait_dma2 semaphore(%run_scoped3A : memref<!tpu.dma_semaphore, #tpu.memory_space<semaphore_mem>>) src(%arg11 : memref<4096xf32, #tpu.memory_space<vmem>>) dst(%dma_wait3A_46 : memref<4096xf32, #tpu.memory_space<vmem_shared>>)
        tpu.yield
      }) : () -> ()
    }
    %scan3A_27 = arith.constant 20 : i32
    %eq3A = arith.constant 0 : i32
    %eq3A_28 = arith.cmpi eq, %arg1, %eq3A : i32
    %convert_element_type3A = arith.extui %eq3A_28 : i1 to i32
    %cond3A = arith.constant 0 : i32
    %cond3A_29 = arith.cmpi ne, %convert_element_type3A, %cond3A : i32
    scf.if %cond3A_29 {
      "tpu.region"() ({
        %run_scoped3A = tpu.sem_alloc : memref<!tpu.dma_semaphore, #tpu.memory_space<semaphore_mem>>
        %dma_start3A = arith.constant 0 : i32
        %dma_start3A_35 = tpu.memref_slice %arg11[%dma_start3A] : memref<4096xf32, #tpu.memory_space<vmem>> -> memref<64xf32, #tpu.memory_space<vmem>>
        %dma_start3A_36 = arith.constant 1310720 : i32
        %dma_start3A_37 = tpu.memref_slice %arg16[%dma_start3A_36] : memref<1310784xf32, #tpu.memory_space<vmem_shared>> -> memref<64xf32, #tpu.memory_space<vmem_shared>>
        %dma_start3A_38 = arith.constant 1310720 : i32
        %dma_start3A_39 = tpu.memref_slice %arg16[%dma_start3A_38] : memref<1310784xf32, #tpu.memory_space<vmem_shared>> -> memref<64xf32, #tpu.memory_space<vmem_shared>>
        %dma_start3A_40 = arith.constant 0 : i32
        %dma_start3A_41 = tpu.memref_slice %arg11[%dma_start3A_40] : memref<4096xf32, #tpu.memory_space<vmem>> -> memref<64xf32, #tpu.memory_space<vmem>>
        tpu.enqueue_dma source(%dma_start3A_41 : memref<64xf32, #tpu.memory_space<vmem>>) target(%dma_start3A_39 : memref<64xf32, #tpu.memory_space<vmem_shared>>) target_semaphore(%run_scoped3A : memref<!tpu.dma_semaphore, #tpu.memory_space<semaphore_mem>>)
        %dma_wait3A = arith.constant 0 : i32
        %dma_wait3A_42 = tpu.memref_slice %arg11[%dma_wait3A] : memref<4096xf32, #tpu.memory_space<vmem>> -> memref<64xf32, #tpu.memory_space<vmem>>
        %dma_wait3A_43 = arith.constant 1310720 : i32
        %dma_wait3A_44 = tpu.memref_slice %arg16[%dma_wait3A_43] : memref<1310784xf32, #tpu.memory_space<vmem_shared>> -> memref<64xf32, #tpu.memory_space<vmem_shared>>
        %dma_wait3A_45 = arith.constant 1310720 : i32
        %dma_wait3A_46 = tpu.memref_slice %arg16[%dma_wait3A_45] : memref<1310784xf32, #tpu.memory_space<vmem_shared>> -> memref<64xf32, #tpu.memory_space<vmem_shared>>
        %dma_wait3A_47 = arith.constant 0 : i32
        %dma_wait3A_48 = tpu.memref_slice %arg11[%dma_wait3A_47] : memref<4096xf32, #tpu.memory_space<vmem>> -> memref<64xf32, #tpu.memory_space<vmem>>
        tpu.wait_dma2 semaphore(%run_scoped3A : memref<!tpu.dma_semaphore, #tpu.memory_space<semaphore_mem>>) src(%dma_wait3A_48 : memref<64xf32, #tpu.memory_space<vmem>>) dst(%dma_wait3A_46 : memref<64xf32, #tpu.memory_space<vmem_shared>>)
        tpu.yield
      }) : () -> ()
    } else {
    }
    %barrier3A = arith.constant 0 : index
    tpu.barrier barrier_id(%barrier3A)
    %scan3A_30 = arith.constant 0 : i32
    %scan3A_31 = arith.constant 40 : i32
    %scan3A_32 = arith.addi %scan3A_30, %scan3A_31 : i32
    %scan3A_33 = arith.constant 1 : i32
    scf.for %scan3A_35 = %scan3A_30 to %scan3A_32 step %scan3A_33  : i32 {
      %mul3A_36 = arith.constant 1 : i32
      %mul3A_37 = arith.muli %scan3A_35, %mul3A_36 : i32
      %add3A_38 = arith.constant 0 : i32
      %add3A_39 = arith.addi %add3A_38, %mul3A_37 : i32
      %mul3A_40 = arith.constant 2 : i32
      %mul3A_41 = arith.muli %add3A_39, %mul3A_40 : i32
      %add3A_42 = arith.addi %mul3A_41, %arg0 : i32
      %mul3A_43 = arith.constant 128 : i32
      %mul3A_44 = arith.muli %add3A_42, %mul3A_43 : i32
      %swap3A = arith.constant 0 : i32
      %swap3A_45 = arith.constant 0 : i32
      %swap3A_46 = arith.index_cast %swap3A_45 : i32 to index
      %swap3A_47 = memref.load %arg15[%swap3A_46] : memref<1xi32, #tpu.memory_space<smem>>
      memref.store %swap3A, %arg15[%swap3A_46] : memref<1xi32, #tpu.memory_space<smem>>
      %scan3A_48 = arith.constant 0 : i32
      %scan3A_49 = arith.constant 625 : i32
      %scan3A_50 = arith.addi %scan3A_48, %scan3A_49 : i32
      %scan3A_51 = arith.constant 1 : i32
      scf.for %scan3A_179 = %scan3A_48 to %scan3A_50 step %scan3A_51  : i32 {
        %mul3A_180 = arith.constant 1 : i32
        %mul3A_181 = arith.muli %scan3A_179, %mul3A_180 : i32
        %add3A_182 = arith.constant 0 : i32
        %add3A_183 = arith.addi %add3A_182, %mul3A_181 : i32
        %mul3A_184 = arith.constant 16 : i32
        %mul3A_185 = arith.muli %add3A_183, %mul3A_184 : i32
        %get3A_186 = arith.index_cast %mul3A_185 : i32 to index
        %get3A_187 = tpu.vector_load %arg6[%get3A_186] {strides = array<i32>} : memref<10000xi32, #tpu.memory_space<vmem>>, vector<16xi32>,
        %mul3A_188 = arith.constant 16 : i32
        %mul3A_189 = arith.muli %add3A_183, %mul3A_188 : i32
        %get3A_190 = arith.index_cast %mul3A_189 : i32 to index
        %get3A_191 = tpu.vector_load %arg5[%get3A_190] {strides = array<i32>} : memref<10000xi32, #tpu.memory_space<vmem>>, vector<16xi32>,
        %ge3A = vector.broadcast %mul3A_44 : i32 to vector<16xi32>
        %ge3A_192 = arith.cmpi sge, %get3A_187, %ge3A : vector<16xi32>
        %add3A_193 = arith.constant 128 : i32
        %add3A_194 = arith.addi %mul3A_44, %add3A_193 : i32
        %lt3A = vector.broadcast %add3A_194 : i32 to vector<16xi32>
        %lt3A_195 = arith.cmpi slt, %get3A_187, %lt3A : vector<16xi32>
        %and3A_196 = arith.andi %ge3A_192, %lt3A_195 : vector<16xi1>
        %sub3A_197 = vector.broadcast %mul3A_44 : i32 to vector<16xi32>
        %sub3A_198 = arith.subi %get3A_187, %sub3A_197 : vector<16xi32>
        %mul3A_199 = arith.constant 10240 : i32
        %mul3A_200 = vector.broadcast %mul3A_199 : i32 to vector<16xi32>
        %mul3A_201 = arith.muli %sub3A_198, %mul3A_200 : vector<16xi32>
        %add3A_202 = arith.addi %mul3A_201, %get3A_191 : vector<16xi32>
        %get3A_203 = arith.constant 0 : i32
        %get3A_204 = arith.index_cast %get3A_203 : i32 to index
        %get3A_205 = memref.load %arg15[%get3A_204] : memref<1xi32, #tpu.memory_space<smem>>
        %swap3A_206 = arith.index_cast %get3A_205 : i32 to index
        %swap3A_207 = tpu.vector_load %arg7[%swap3A_206] masked %and3A_196 {strides = array<i32>} : memref<10016xi32, #tpu.memory_space<vmem>>, vector<16xi32>, vector<16xi1>
        tpu.vector_store %arg7[%swap3A_206], %add3A_202 masked %and3A_196 {strides = array<i32>} : memref<10016xi32, #tpu.memory_space<vmem>>, vector<16xi32>, vector<16xi1>
        %all_reduce_population_count3A = tpu.all_reduce %and3A_196 {dim = 0 : i64, kind = #tpu.reduction_kind<sum>} : vector<16xi1> -> vector<16xi32>
        %reduce_max3A = arith.constant true
        %reduce_max3A_208 = vector.broadcast %reduce_max3A : i1 to vector<16xi1>
        %reduce_max3A_209 = arith.constant -2147483648 : i32
        %reduce_max3A_210 = vector.broadcast %reduce_max3A_209 : i32 to vector<16xi32>
        %reduce_max3A_211 = arith.xori %all_reduce_population_count3A, %reduce_max3A_210 : vector<16xi32>
        %reduce_max3A_212 = tpu.scan <max>, %reduce_max3A_211 masked %reduce_max3A_208 : vector<16xi32>, vector<16xi1> -> vector<16xi32>
        %reduce_max3A_213 = arith.xori %reduce_max3A_212, %reduce_max3A_210 : vector<16xi32>
        %reduce_max3A_214 = vector.extract %reduce_max3A_213[15] : i32 from vector<16xi32>
        %add3A_215 = arith.addi %get3A_205, %reduce_max3A_214 : i32
        %swap3A_216 = arith.constant 0 : i32
        %swap3A_217 = arith.index_cast %swap3A_216 : i32 to index
        %swap3A_218 = memref.load %arg15[%swap3A_217] : memref<1xi32, #tpu.memory_space<smem>>
        memref.store %add3A_215, %arg15[%swap3A_217] : memref<1xi32, #tpu.memory_space<smem>>
      }
      %scan3A_52 = arith.constant 625 : i32
      %get3A = arith.constant 0 : i32
      %get3A_53 = arith.index_cast %get3A : i32 to index
      %get3A_54 = memref.load %arg15[%get3A_53] : memref<1xi32, #tpu.memory_space<smem>>
      %add3A_55 = arith.constant 256 : i32
      %add3A_56 = arith.addi %get3A_54, %add3A_55 : i32
      %sub3A = arith.constant 1 : i32
      %sub3A_57 = arith.subi %add3A_56, %sub3A : i32
      %jit3A = arith.constant 256 : i32
      %div3A = arith.divsi %sub3A_57, %jit3A : i32
      %sign3A = arith.constant 0 : i32
      %sign3A_58 = arith.cmpi sgt, %sub3A_57, %sign3A : i32
      %sign3A_59 = arith.extui %sign3A_58 : i1 to i32
      %sign3A_60 = arith.constant 0 : i32
      %sign3A_61 = arith.cmpi slt, %sub3A_57, %sign3A_60 : i32
      %sign3A_62 = arith.extui %sign3A_61 : i1 to i32
      %sign3A_63 = arith.subi %sign3A_59, %sign3A_62 : i32
      %sign3A_64 = arith.constant 0 : i32
      %sign3A_65 = arith.cmpi sgt, %jit3A, %sign3A_64 : i32
      %sign3A_66 = arith.extui %sign3A_65 : i1 to i32
      %sign3A_67 = arith.constant 0 : i32
      %sign3A_68 = arith.cmpi slt, %jit3A, %sign3A_67 : i32
      %sign3A_69 = arith.extui %sign3A_68 : i1 to i32
      %sign3A_70 = arith.subi %sign3A_66, %sign3A_69 : i32
      %ne3A = arith.cmpi ne, %sign3A_63, %sign3A_70 : i32
      %rem3A = arith.remsi %sub3A_57, %jit3A : i32
      %ne3A_71 = arith.constant 0 : i32
      %ne3A_72 = arith.cmpi ne, %rem3A, %ne3A_71 : i32
      %and3A = arith.andi %ne3A, %ne3A_72 : i1
      %sub3A_73 = arith.constant 1 : i32
      %sub3A_74 = arith.subi %div3A, %sub3A_73 : i32
      %select_n3A = arith.select %and3A, %sub3A_74, %div3A : i32
      %sub3A_75 = arith.constant 0 : i32
      %sub3A_76 = arith.subi %select_n3A, %sub3A_75 : i32
      %sub3A_77 = arith.constant 1 : i32
      %sub3A_78 = arith.constant 1 : i32
      %sub3A_79 = arith.subi %sub3A_77, %sub3A_78 : i32
      %add3A_80 = arith.addi %sub3A_76, %sub3A_79 : i32
      %div3A_81 = arith.constant 1 : i32
      %div3A_82 = arith.divsi %add3A_80, %div3A_81 : i32
      %while3A = arith.constant 1 : i32
      %while3A_83 = arith.constant 0 : i32
      %while3A_84 = arith.constant 0 : i32
      %while3A_85 = arith.subi %div3A_82, %while3A_84 : i32
      %while3A_86 = arith.addi %while3A_84, %while3A_85 : i32
      %while3A_87 = arith.constant 1 : i32
      %while3A_88 = arith.divsi %while3A_85, %while3A_87 : i32
      %while3A_89 = arith.muli %while3A_88, %while3A_87 : i32
      %while3A_90 = arith.addi %while3A_84, %while3A_89 : i32
      %while3A_91 = arith.constant 1 : i32
      scf.for %while3A_179 = %while3A_84 to %while3A_90 step %while3A_91  : i32 {
        %mul3A_180 = arith.muli %while3A_179, %while3A : i32
        %add3A_181 = arith.addi %while3A_83, %mul3A_180 : i32
        %scan3A_182 = arith.constant 0 : i32
        %scan3A_183 = arith.constant 16 : i32
        %scan3A_184 = arith.addi %scan3A_182, %scan3A_183 : i32
        %scan3A_185 = arith.constant 1 : i32
        scf.for %scan3A_187 = %scan3A_182 to %scan3A_184 step %scan3A_185  : i32 {
          %mul3A_188 = arith.constant 1 : i32
          %mul3A_189 = arith.muli %scan3A_187, %mul3A_188 : i32
          %add3A_190 = arith.constant 0 : i32
          %add3A_191 = arith.addi %add3A_190, %mul3A_189 : i32
          %mul3A_192 = arith.constant 256 : i32
          %mul3A_193 = arith.muli %add3A_181, %mul3A_192 : i32
          %mul3A_194 = arith.constant 16 : i32
          %mul3A_195 = arith.muli %add3A_191, %mul3A_194 : i32
          %add3A_196 = arith.addi %mul3A_193, %mul3A_195 : i32
          %get3A_197 = arith.index_cast %add3A_196 : i32 to index
          %get3A_198 = tpu.vector_load %arg7[%get3A_197] {strides = array<i32>} : memref<10016xi32, #tpu.memory_space<vmem>>, vector<16xi32>,
          %mul3A_199 = arith.constant 16 : i32
          %mul3A_200 = arith.muli %add3A_191, %mul3A_199 : i32
          %swap3A_201 = arith.index_cast %mul3A_200 : i32 to index
          %swap3A_202 = tpu.vector_load %arg8[%swap3A_201] {strides = array<i32>} : memref<256xi32, #tpu.memory_space<vmem>>, vector<16xi32>,
          tpu.vector_store %arg8[%swap3A_201], %get3A_198 {strides = array<i32>} : memref<256xi32, #tpu.memory_space<vmem>>, vector<16xi32>,
        }
        %scan3A_186 = arith.constant 16 : i32
        "tpu.region"() ({
          %run_scoped3A = tpu.sem_alloc : memref<!tpu.dma_semaphore, #tpu.memory_space<semaphore_mem>>
          %dma_start3A = arith.constant 0 : i32
          %dma_start3A_187 = tpu.memref_slice %arg16[%dma_start3A] : memref<1310784xf32, #tpu.memory_space<vmem_shared>> -> memref<1310784xf32, #tpu.memory_space<vmem_shared>>
          tpu.enqueue_indirect_dma source(%arg9 : memref<256xf32, #tpu.memory_space<vmem>>) target(%dma_start3A_187 : memref<1310784xf32, #tpu.memory_space<vmem_shared>>) offsets(%arg8 : memref<256xi32, #tpu.memory_space<vmem>>) semaphore(%run_scoped3A : memref<!tpu.dma_semaphore, #tpu.memory_space<semaphore_mem>>) {add = true}
          %dma_wait3A = arith.constant 0 : i32
          %dma_wait3A_188 = tpu.memref_slice %arg16[%dma_wait3A] : memref<1310784xf32, #tpu.memory_space<vmem_shared>> -> memref<1310784xf32, #tpu.memory_space<vmem_shared>>
          tpu.wait_indirect_dma semaphore(%run_scoped3A : memref<!tpu.dma_semaphore, #tpu.memory_space<semaphore_mem>>) src(%arg9 : memref<256xf32, #tpu.memory_space<vmem>>) dst(%dma_wait3A_188 : memref<1310784xf32, #tpu.memory_space<vmem_shared>>)
          tpu.yield
        }) : () -> ()
      }
      %while3A_92 = arith.constant 1 : i32
      scf.for %while3A_179 = %while3A_90 to %while3A_86 step %while3A_92  : i32 {
        %mul3A_180 = arith.muli %while3A_179, %while3A : i32
        %add3A_181 = arith.addi %while3A_83, %mul3A_180 : i32
        %scan3A_182 = arith.constant 0 : i32
        %scan3A_183 = arith.constant 16 : i32
        %scan3A_184 = arith.addi %scan3A_182, %scan3A_183 : i32
        %scan3A_185 = arith.constant 1 : i32
        scf.for %scan3A_187 = %scan3A_182 to %scan3A_184 step %scan3A_185  : i32 {
          %mul3A_188 = arith.constant 1 : i32
          %mul3A_189 = arith.muli %scan3A_187, %mul3A_188 : i32
          %add3A_190 = arith.constant 0 : i32
          %add3A_191 = arith.addi %add3A_190, %mul3A_189 : i32
          %mul3A_192 = arith.constant 256 : i32
          %mul3A_193 = arith.muli %add3A_181, %mul3A_192 : i32
          %mul3A_194 = arith.constant 16 : i32
          %mul3A_195 = arith.muli %add3A_191, %mul3A_194 : i32
          %add3A_196 = arith.addi %mul3A_193, %mul3A_195 : i32
          %get3A_197 = arith.index_cast %add3A_196 : i32 to index
          %get3A_198 = tpu.vector_load %arg7[%get3A_197] {strides = array<i32>} : memref<10016xi32, #tpu.memory_space<vmem>>, vector<16xi32>,
          %mul3A_199 = arith.constant 16 : i32
          %mul3A_200 = arith.muli %add3A_191, %mul3A_199 : i32
          %swap3A_201 = arith.index_cast %mul3A_200 : i32 to index
          %swap3A_202 = tpu.vector_load %arg8[%swap3A_201] {strides = array<i32>} : memref<256xi32, #tpu.memory_space<vmem>>, vector<16xi32>,
          tpu.vector_store %arg8[%swap3A_201], %get3A_198 {strides = array<i32>} : memref<256xi32, #tpu.memory_space<vmem>>, vector<16xi32>,
        }
        %scan3A_186 = arith.constant 16 : i32
        "tpu.region"() ({
          %run_scoped3A = tpu.sem_alloc : memref<!tpu.dma_semaphore, #tpu.memory_space<semaphore_mem>>
          %dma_start3A = arith.constant 0 : i32
          %dma_start3A_187 = tpu.memref_slice %arg16[%dma_start3A] : memref<1310784xf32, #tpu.memory_space<vmem_shared>> -> memref<1310784xf32, #tpu.memory_space<vmem_shared>>
          tpu.enqueue_indirect_dma source(%arg9 : memref<256xf32, #tpu.memory_space<vmem>>) target(%dma_start3A_187 : memref<1310784xf32, #tpu.memory_space<vmem_shared>>) offsets(%arg8 : memref<256xi32, #tpu.memory_space<vmem>>) semaphore(%run_scoped3A : memref<!tpu.dma_semaphore, #tpu.memory_space<semaphore_mem>>) {add = true}
          %dma_wait3A = arith.constant 0 : i32
          %dma_wait3A_188 = tpu.memref_slice %arg16[%dma_wait3A] : memref<1310784xf32, #tpu.memory_space<vmem_shared>> -> memref<1310784xf32, #tpu.memory_space<vmem_shared>>
          tpu.wait_indirect_dma semaphore(%run_scoped3A : memref<!tpu.dma_semaphore, #tpu.memory_space<semaphore_mem>>) src(%arg9 : memref<256xf32, #tpu.memory_space<vmem>>) dst(%dma_wait3A_188 : memref<1310784xf32, #tpu.memory_space<vmem_shared>>)
          tpu.yield
        }) : () -> ()
      }
      %eq3A_93 = arith.constant 0 : i32
      %eq3A_94 = arith.cmpi eq, %arg1, %eq3A_93 : i32
      %convert_element_type3A_95 = arith.extui %eq3A_94 : i1 to i32
      %cond3A_96 = arith.constant 0 : i32
      %cond3A_97 = arith.cmpi ne, %convert_element_type3A_95, %cond3A_96 : i32
      scf.if %cond3A_97 {
        %scan3A_179 = arith.constant 0 : i32
        %scan3A_180 = arith.constant 8 : i32
        %scan3A_181 = arith.addi %scan3A_179, %scan3A_180 : i32
        %scan3A_182 = arith.constant 1 : i32
        scf.for %scan3A_184 = %scan3A_179 to %scan3A_181 step %scan3A_182  : i32 {
          %mul3A_185 = arith.constant 1 : i32
          %mul3A_186 = arith.muli %scan3A_184, %mul3A_185 : i32
          %add3A_187 = arith.constant 0 : i32
          %add3A_188 = arith.addi %add3A_187, %mul3A_186 : i32
          %mul3A_189 = arith.constant 16 : i32
          %mul3A_190 = arith.muli %add3A_188, %mul3A_189 : i32
          %add3A_191 = vector.broadcast %mul3A_190 : i32 to vector<16xi32>
          %add3A_192 = arith.addi %add3A_191, %iota3A : vector<16xi32>
          %add3A_193 = vector.broadcast %mul3A_44 : i32 to vector<16xi32>
          %add3A_194 = arith.addi %add3A_193, %add3A_192 : vector<16xi32>
          %lt3A = arith.constant 10000 : i32
          %lt3A_195 = vector.broadcast %lt3A : i32 to vector<16xi32>
          %lt3A_196 = arith.cmpi slt, %add3A_194, %lt3A_195 : vector<16xi32>
          %mul3A_197 = arith.constant 10240 : i32
          %mul3A_198 = vector.broadcast %mul3A_197 : i32 to vector<16xi32>
          %mul3A_199 = arith.muli %add3A_192, %mul3A_198 : vector<16xi32>
          %add3A_200 = arith.addi %mul3A_199, %add3A_194 : vector<16xi32>
          %select_n3A_201 = arith.select %lt3A_196, %add3A_200, %add3A : vector<16xi1>, vector<16xi32>
          %mul3A_202 = arith.constant 16 : i32
          %mul3A_203 = arith.muli %add3A_188, %mul3A_202 : i32
          %swap3A_204 = arith.index_cast %mul3A_203 : i32 to index
          %swap3A_205 = tpu.vector_load %arg12[%swap3A_204] {strides = array<i32>} : memref<128xi32, #tpu.memory_space<vmem>>, vector<16xi32>,
          tpu.vector_store %arg12[%swap3A_204], %select_n3A_201 {strides = array<i32>} : memref<128xi32, #tpu.memory_space<vmem>>, vector<16xi32>,
        }
        %scan3A_183 = arith.constant 8 : i32
        "tpu.region"() ({
          %run_scoped3A = tpu.sem_alloc : memref<!tpu.dma_semaphore, #tpu.memory_space<semaphore_mem>>
          %dma_start3A = arith.constant 0 : i32
          %dma_start3A_184 = tpu.memref_slice %arg16[%dma_start3A] : memref<1310784xf32, #tpu.memory_space<vmem_shared>> -> memref<1310784xf32, #tpu.memory_space<vmem_shared>>
          tpu.enqueue_indirect_dma source(%arg13 : memref<128xf32, #tpu.memory_space<vmem>>) target(%dma_start3A_184 : memref<1310784xf32, #tpu.memory_space<vmem_shared>>) offsets(%arg12 : memref<128xi32, #tpu.memory_space<vmem>>) semaphore(%run_scoped3A : memref<!tpu.dma_semaphore, #tpu.memory_space<semaphore_mem>>) {add = true}
          %dma_wait3A = arith.constant 0 : i32
          %dma_wait3A_185 = tpu.memref_slice %arg16[%dma_wait3A] : memref<1310784xf32, #tpu.memory_space<vmem_shared>> -> memref<1310784xf32, #tpu.memory_space<vmem_shared>>
          tpu.wait_indirect_dma semaphore(%run_scoped3A : memref<!tpu.dma_semaphore, #tpu.memory_space<semaphore_mem>>) src(%arg13 : memref<128xf32, #tpu.memory_space<vmem>>) dst(%dma_wait3A_185 : memref<1310784xf32, #tpu.memory_space<vmem_shared>>)
          tpu.yield
        }) : () -> ()
      } else {
      }
      %barrier3A_98 = arith.constant 0 : index
      tpu.barrier barrier_id(%barrier3A_98)
      %mul3A_99 = arith.constant 81920 : i32
      %mul3A_100 = arith.muli %arg1, %mul3A_99 : i32
      %mul3A_101 = arith.constant 1310720 : i32
      %mul3A_102 = arith.muli %add3A_42, %mul3A_101 : i32
      %mul3A_103 = arith.constant 81920 : i32
      %mul3A_104 = arith.muli %arg1, %mul3A_103 : i32
      %add3A_105 = arith.addi %mul3A_102, %mul3A_104 : i32
      "tpu.region"() ({
        %run_scoped3A = tpu.sem_alloc : memref<!tpu.dma_semaphore, #tpu.memory_space<semaphore_mem>>
        %dma_start3A = tpu.memref_slice %arg4[%add3A_105] : memref<104857600xf32, #tpu.memory_space<hbm>> -> memref<81920xf32, #tpu.memory_space<hbm>>
        %dma_start3A_179 = tpu.memref_slice %arg16[%mul3A_100] : memref<1310784xf32, #tpu.memory_space<vmem_shared>> -> memref<81920xf32, #tpu.memory_space<vmem_shared>>
        tpu.enqueue_dma source(%dma_start3A_179 : memref<81920xf32, #tpu.memory_space<vmem_shared>>) target(%dma_start3A : memref<81920xf32, #tpu.memory_space<hbm>>) target_semaphore(%run_scoped3A : memref<!tpu.dma_semaphore, #tpu.memory_space<semaphore_mem>>)
        %dma_wait3A = tpu.memref_slice %arg4[%add3A_105] : memref<104857600xf32, #tpu.memory_space<hbm>> -> memref<81920xf32, #tpu.memory_space<hbm>>
        %dma_wait3A_180 = tpu.memref_slice %arg16[%mul3A_100] : memref<1310784xf32, #tpu.memory_space<vmem_shared>> -> memref<81920xf32, #tpu.memory_space<vmem_shared>>
        tpu.wait_dma2 semaphore(%run_scoped3A : memref<!tpu.dma_semaphore, #tpu.memory_space<semaphore_mem>>) src(%dma_wait3A_180 : memref<81920xf32, #tpu.memory_space<vmem_shared>>) dst(%dma_wait3A : memref<81920xf32, #tpu.memory_space<hbm>>)
        tpu.yield
      }) : () -> ()
      %barrier3A_106 = arith.constant 0 : index
      tpu.barrier barrier_id(%barrier3A_106)
      %sub3A_107 = arith.constant 0 : i32
      %sub3A_108 = arith.subi %select_n3A, %sub3A_107 : i32
      %sub3A_109 = arith.constant 1 : i32
      %sub3A_110 = arith.constant 1 : i32
      %sub3A_111 = arith.subi %sub3A_109, %sub3A_110 : i32
      %add3A_112 = arith.addi %sub3A_108, %sub3A_111 : i32
      %div3A_113 = arith.constant 1 : i32
      %div3A_114 = arith.divsi %add3A_112, %div3A_113 : i32
      %while3A_115 = arith.constant 1 : i32
      %while3A_116 = arith.constant 0 : i32
      %while3A_117 = arith.constant 0 : i32
      %while3A_118 = arith.subi %div3A_114, %while3A_117 : i32
      %while3A_119 = arith.addi %while3A_117, %while3A_118 : i32
      %while3A_120 = arith.constant 1 : i32
      %while3A_121 = arith.divsi %while3A_118, %while3A_120 : i32
      %while3A_122 = arith.muli %while3A_121, %while3A_120 : i32
      %while3A_123 = arith.addi %while3A_117, %while3A_122 : i32
      %while3A_124 = arith.constant 1 : i32
      scf.for %while3A_179 = %while3A_117 to %while3A_123 step %while3A_124  : i32 {
        %mul3A_180 = arith.muli %while3A_179, %while3A_115 : i32
        %add3A_181 = arith.addi %while3A_116, %mul3A_180 : i32
        %scan3A_182 = arith.constant 0 : i32
        %scan3A_183 = arith.constant 16 : i32
        %scan3A_184 = arith.addi %scan3A_182, %scan3A_183 : i32
        %scan3A_185 = arith.constant 1 : i32
        scf.for %scan3A_187 = %scan3A_182 to %scan3A_184 step %scan3A_185  : i32 {
          %mul3A_188 = arith.constant 1 : i32
          %mul3A_189 = arith.muli %scan3A_187, %mul3A_188 : i32
          %add3A_190 = arith.constant 0 : i32
          %add3A_191 = arith.addi %add3A_190, %mul3A_189 : i32
          %mul3A_192 = arith.constant 256 : i32
          %mul3A_193 = arith.muli %add3A_181, %mul3A_192 : i32
          %mul3A_194 = arith.constant 16 : i32
          %mul3A_195 = arith.muli %add3A_191, %mul3A_194 : i32
          %add3A_196 = arith.addi %mul3A_193, %mul3A_195 : i32
          %get3A_197 = arith.index_cast %add3A_196 : i32 to index
          %get3A_198 = tpu.vector_load %arg7[%get3A_197] {strides = array<i32>} : memref<10016xi32, #tpu.memory_space<vmem>>, vector<16xi32>,
          %mul3A_199 = arith.constant 16 : i32
          %mul3A_200 = arith.muli %add3A_191, %mul3A_199 : i32
          %swap3A_201 = arith.index_cast %mul3A_200 : i32 to index
          %swap3A_202 = tpu.vector_load %arg8[%swap3A_201] {strides = array<i32>} : memref<256xi32, #tpu.memory_space<vmem>>, vector<16xi32>,
          tpu.vector_store %arg8[%swap3A_201], %get3A_198 {strides = array<i32>} : memref<256xi32, #tpu.memory_space<vmem>>, vector<16xi32>,
        }
        %scan3A_186 = arith.constant 16 : i32
        "tpu.region"() ({
          %run_scoped3A = tpu.sem_alloc : memref<!tpu.dma_semaphore, #tpu.memory_space<semaphore_mem>>
          %dma_start3A = arith.constant 0 : i32
          %dma_start3A_187 = tpu.memref_slice %arg16[%dma_start3A] : memref<1310784xf32, #tpu.memory_space<vmem_shared>> -> memref<1310784xf32, #tpu.memory_space<vmem_shared>>
          tpu.enqueue_indirect_dma source(%arg10 : memref<256xf32, #tpu.memory_space<vmem>>) target(%dma_start3A_187 : memref<1310784xf32, #tpu.memory_space<vmem_shared>>) offsets(%arg8 : memref<256xi32, #tpu.memory_space<vmem>>) semaphore(%run_scoped3A : memref<!tpu.dma_semaphore, #tpu.memory_space<semaphore_mem>>) {add = true}
          %dma_wait3A = arith.constant 0 : i32
          %dma_wait3A_188 = tpu.memref_slice %arg16[%dma_wait3A] : memref<1310784xf32, #tpu.memory_space<vmem_shared>> -> memref<1310784xf32, #tpu.memory_space<vmem_shared>>
          tpu.wait_indirect_dma semaphore(%run_scoped3A : memref<!tpu.dma_semaphore, #tpu.memory_space<semaphore_mem>>) src(%arg10 : memref<256xf32, #tpu.memory_space<vmem>>) dst(%dma_wait3A_188 : memref<1310784xf32, #tpu.memory_space<vmem_shared>>)
          tpu.yield
        }) : () -> ()
      }
      %while3A_125 = arith.constant 1 : i32
      scf.for %while3A_179 = %while3A_123 to %while3A_119 step %while3A_125  : i32 {
        %mul3A_180 = arith.muli %while3A_179, %while3A_115 : i32
        %add3A_181 = arith.addi %while3A_116, %mul3A_180 : i32
        %scan3A_182 = arith.constant 0 : i32
        %scan3A_183 = arith.constant 16 : i32
        %scan3A_184 = arith.addi %scan3A_182, %scan3A_183 : i32
        %scan3A_185 = arith.constant 1 : i32
        scf.for %scan3A_187 = %scan3A_182 to %scan3A_184 step %scan3A_185  : i32 {
          %mul3A_188 = arith.constant 1 : i32
          %mul3A_189 = arith.muli %scan3A_187, %mul3A_188 : i32
          %add3A_190 = arith.constant 0 : i32
          %add3A_191 = arith.addi %add3A_190, %mul3A_189 : i32
          %mul3A_192 = arith.constant 256 : i32
          %mul3A_193 = arith.muli %add3A_181, %mul3A_192 : i32
          %mul3A_194 = arith.constant 16 : i32
          %mul3A_195 = arith.muli %add3A_191, %mul3A_194 : i32
          %add3A_196 = arith.addi %mul3A_193, %mul3A_195 : i32
          %get3A_197 = arith.index_cast %add3A_196 : i32 to index
          %get3A_198 = tpu.vector_load %arg7[%get3A_197] {strides = array<i32>} : memref<10016xi32, #tpu.memory_space<vmem>>, vector<16xi32>,
          %mul3A_199 = arith.constant 16 : i32
          %mul3A_200 = arith.muli %add3A_191, %mul3A_199 : i32
          %swap3A_201 = arith.index_cast %mul3A_200 : i32 to index
          %swap3A_202 = tpu.vector_load %arg8[%swap3A_201] {strides = array<i32>} : memref<256xi32, #tpu.memory_space<vmem>>, vector<16xi32>,
          tpu.vector_store %arg8[%swap3A_201], %get3A_198 {strides = array<i32>} : memref<256xi32, #tpu.memory_space<vmem>>, vector<16xi32>,
        }
        %scan3A_186 = arith.constant 16 : i32
        "tpu.region"() ({
          %run_scoped3A = tpu.sem_alloc : memref<!tpu.dma_semaphore, #tpu.memory_space<semaphore_mem>>
          %dma_start3A = arith.constant 0 : i32
          %dma_start3A_187 = tpu.memref_slice %arg16[%dma_start3A] : memref<1310784xf32, #tpu.memory_space<vmem_shared>> -> memref<1310784xf32, #tpu.memory_space<vmem_shared>>
          tpu.enqueue_indirect_dma source(%arg10 : memref<256xf32, #tpu.memory_space<vmem>>) target(%dma_start3A_187 : memref<1310784xf32, #tpu.memory_space<vmem_shared>>) offsets(%arg8 : memref<256xi32, #tpu.memory_space<vmem>>) semaphore(%run_scoped3A : memref<!tpu.dma_semaphore, #tpu.memory_space<semaphore_mem>>) {add = true}
          %dma_wait3A = arith.constant 0 : i32
          %dma_wait3A_188 = tpu.memref_slice %arg16[%dma_wait3A] : memref<1310784xf32, #tpu.memory_space<vmem_shared>> -> memref<1310784xf32, #tpu.memory_space<vmem_shared>>
          tpu.wait_indirect_dma semaphore(%run_scoped3A : memref<!tpu.dma_semaphore, #tpu.memory_space<semaphore_mem>>) src(%arg10 : memref<256xf32, #tpu.memory_space<vmem>>) dst(%dma_wait3A_188 : memref<1310784xf32, #tpu.memory_space<vmem_shared>>)
          tpu.yield
        }) : () -> ()
      }
      %eq3A_126 = arith.constant 0 : i32
      %eq3A_127 = arith.cmpi eq, %arg1, %eq3A_126 : i32
      %convert_element_type3A_128 = arith.extui %eq3A_127 : i1 to i32
      %cond3A_129 = arith.constant 0 : i32
      %cond3A_130 = arith.cmpi ne, %convert_element_type3A_128, %cond3A_129 : i32
      scf.if %cond3A_130 {
        "tpu.region"() ({
          %run_scoped3A = tpu.sem_alloc : memref<!tpu.dma_semaphore, #tpu.memory_space<semaphore_mem>>
          %dma_start3A = arith.constant 0 : i32
          %dma_start3A_179 = tpu.memref_slice %arg16[%dma_start3A] : memref<1310784xf32, #tpu.memory_space<vmem_shared>> -> memref<1310784xf32, #tpu.memory_space<vmem_shared>>
          tpu.enqueue_indirect_dma source(%arg14 : memref<128xf32, #tpu.memory_space<vmem>>) target(%dma_start3A_179 : memref<1310784xf32, #tpu.memory_space<vmem_shared>>) offsets(%arg12 : memref<128xi32, #tpu.memory_space<vmem>>) semaphore(%run_scoped3A : memref<!tpu.dma_semaphore, #tpu.memory_space<semaphore_mem>>) {add = true}
          %dma_wait3A = arith.constant 0 : i32
          %dma_wait3A_180 = tpu.memref_slice %arg16[%dma_wait3A] : memref<1310784xf32, #tpu.memory_space<vmem_shared>> -> memref<1310784xf32, #tpu.memory_space<vmem_shared>>
          tpu.wait_indirect_dma semaphore(%run_scoped3A : memref<!tpu.dma_semaphore, #tpu.memory_space<semaphore_mem>>) src(%arg14 : memref<128xf32, #tpu.memory_space<vmem>>) dst(%dma_wait3A_180 : memref<1310784xf32, #tpu.memory_space<vmem_shared>>)
          tpu.yield
        }) : () -> ()
      } else {
      }
      %add3A_131 = arith.constant 16 : i32
      %add3A_132 = arith.addi %get3A_54, %add3A_131 : i32
      %sub3A_133 = arith.constant 1 : i32
      %sub3A_134 = arith.subi %add3A_132, %sub3A_133 : i32
      %jit3A_135 = arith.constant 16 : i32
      %div3A_136 = arith.divsi %sub3A_134, %jit3A_135 : i32
      %sign3A_137 = arith.constant 0 : i32
      %sign3A_138 = arith.cmpi sgt, %sub3A_134, %sign3A_137 : i32
      %sign3A_139 = arith.extui %sign3A_138 : i1 to i32
      %sign3A_140 = arith.constant 0 : i32
      %sign3A_141 = arith.cmpi slt, %sub3A_134, %sign3A_140 : i32
      %sign3A_142 = arith.extui %sign3A_141 : i1 to i32
      %sign3A_143 = arith.subi %sign3A_139, %sign3A_142 : i32
      %sign3A_144 = arith.constant 0 : i32
      %sign3A_145 = arith.cmpi sgt, %jit3A_135, %sign3A_144 : i32
      %sign3A_146 = arith.extui %sign3A_145 : i1 to i32
      %sign3A_147 = arith.constant 0 : i32
      %sign3A_148 = arith.cmpi slt, %jit3A_135, %sign3A_147 : i32
      %sign3A_149 = arith.extui %sign3A_148 : i1 to i32
      %sign3A_150 = arith.subi %sign3A_146, %sign3A_149 : i32
      %ne3A_151 = arith.cmpi ne, %sign3A_143, %sign3A_150 : i32
      %rem3A_152 = arith.remsi %sub3A_134, %jit3A_135 : i32
      %ne3A_153 = arith.constant 0 : i32
      %ne3A_154 = arith.cmpi ne, %rem3A_152, %ne3A_153 : i32
      %and3A_155 = arith.andi %ne3A_151, %ne3A_154 : i1
      %sub3A_156 = arith.constant 1 : i32
      %sub3A_157 = arith.subi %div3A_136, %sub3A_156 : i32
      %select_n3A_158 = arith.select %and3A_155, %sub3A_157, %div3A_136 : i32
      %sub3A_159 = arith.constant 0 : i32
      %sub3A_160 = arith.subi %select_n3A_158, %sub3A_159 : i32
      %sub3A_161 = arith.constant 1 : i32
      %sub3A_162 = arith.constant 1 : i32
      %sub3A_163 = arith.subi %sub3A_161, %sub3A_162 : i32
      %add3A_164 = arith.addi %sub3A_160, %sub3A_163 : i32
      %div3A_165 = arith.constant 1 : i32
      %div3A_166 = arith.divsi %add3A_164, %div3A_165 : i32
      %while3A_167 = arith.constant 1 : i32
      %while3A_168 = arith.constant 0 : i32
      %while3A_169 = arith.constant 0 : i32
      %while3A_170 = arith.subi %div3A_166, %while3A_169 : i32
      %while3A_171 = arith.addi %while3A_169, %while3A_170 : i32
      %while3A_172 = arith.constant 1 : i32
      %while3A_173 = arith.divsi %while3A_170, %while3A_172 : i32
      %while3A_174 = arith.muli %while3A_173, %while3A_172 : i32
      %while3A_175 = arith.addi %while3A_169, %while3A_174 : i32
      %while3A_176 = arith.constant 1 : i32
      scf.for %while3A_179 = %while3A_169 to %while3A_175 step %while3A_176  : i32 {
        %mul3A_180 = arith.muli %while3A_179, %while3A_167 : i32
        %add3A_181 = arith.addi %while3A_168, %mul3A_180 : i32
        %mul3A_182 = arith.constant 16 : i32
        %mul3A_183 = arith.muli %add3A_181, %mul3A_182 : i32
        %swap3A_184 = arith.index_cast %mul3A_183 : i32 to index
        %swap3A_185 = tpu.vector_load %arg7[%swap3A_184] {strides = array<i32>} : memref<10016xi32, #tpu.memory_space<vmem>>, vector<16xi32>,
        tpu.vector_store %arg7[%swap3A_184], %add3A {strides = array<i32>} : memref<10016xi32, #tpu.memory_space<vmem>>, vector<16xi32>,
      }
      %while3A_177 = arith.constant 1 : i32
      scf.for %while3A_179 = %while3A_175 to %while3A_171 step %while3A_177  : i32 {
        %mul3A_180 = arith.muli %while3A_179, %while3A_167 : i32
        %add3A_181 = arith.addi %while3A_168, %mul3A_180 : i32
        %mul3A_182 = arith.constant 16 : i32
        %mul3A_183 = arith.muli %add3A_181, %mul3A_182 : i32
        %swap3A_184 = arith.index_cast %mul3A_183 : i32 to index
        %swap3A_185 = tpu.vector_load %arg7[%swap3A_184] {strides = array<i32>} : memref<10016xi32, #tpu.memory_space<vmem>>, vector<16xi32>,
        tpu.vector_store %arg7[%swap3A_184], %add3A {strides = array<i32>} : memref<10016xi32, #tpu.memory_space<vmem>>, vector<16xi32>,
      }
      %barrier3A_178 = arith.constant 0 : index
      tpu.barrier barrier_id(%barrier3A_178)
    }
    %scan3A_34 = arith.constant 40 : i32
    return
  }
}

module attributes {stable_mosaic.version = 14 : i64} {
  func.func @_stage1_kernel(%arg0: i32, %arg1: memref<512x1280xf32, #tpu.memory_space<vmem>>, %arg2: memref<1280x512xf32, #tpu.memory_space<vmem>>, %arg3: memref<1x512xf32, #tpu.memory_space<vmem>>, %arg4: memref<512x512xbf16, #tpu.memory_space<vmem>>, %arg5: memref<512x512xbf16, #tpu.memory_space<vmem>>) attributes {dimension_semantics = [#tpu.dimension_semantics<arbitrary>], iteration_bounds = array<i64: 20>, scalar_prefetch = 0 : i64, scratch_operands = 0 : i64, tpu.core_type = #tpu.core_type<tc>, window_params = [{transform_indices = @transform_0, window_bounds = array<i64: 512, 1280>}, {pipeline_mode = #tpu.pipeline_mode<synchronous>, transform_indices = @transform_1, window_bounds = array<i64: 1280, 512>}, {pipeline_mode = #tpu.pipeline_mode<synchronous>, transform_indices = @transform_2, window_bounds = array<i64: 1, 512>}, {transform_indices = @transform_3, window_bounds = array<i64: 512, 512>}, {transform_indices = @transform_4, window_bounds = array<i64: 512, 512>}]} {
    %get3A = arith.constant 0 : index
    %get3A_0 = arith.constant 0 : index
    %get3A_1 = vector.load %arg1[%get3A, %get3A_0] : memref<512x1280xf32, #tpu.memory_space<vmem>>, vector<512x1280xf32>
    %get3A_2 = arith.constant 0 : index
    %get3A_3 = arith.constant 0 : index
    %get3A_4 = vector.load %arg2[%get3A_2, %get3A_3] : memref<1280x512xf32, #tpu.memory_space<vmem>>, vector<1280x512xf32>
    %dot_general3A = arith.constant dense<0.000000e+00> : vector<512x512xf32>
    %dot_general3A_5 = tpu.matmul %get3A_1, %get3A_4, %dot_general3A {dimension_numbers = #tpu.dot_dimension_numbers<[1], [0], [0], [1], [0, 0, 1, 1], [], []>, transpose_lhs_hint = false} : vector<512x1280xf32>, vector<1280x512xf32>, vector<512x512xf32> -> vector<512x512xf32>
    %get3A_6 = arith.constant 0 : index
    %get3A_7 = arith.constant 0 : index
    %get3A_8 = vector.load %arg3[%get3A_6, %get3A_7] : memref<1x512xf32, #tpu.memory_space<vmem>>, vector<1x512xf32>
    %add3A = vector.broadcast %get3A_8 : vector<1x512xf32> to vector<512x512xf32>
    %add3A_9 = arith.addf %dot_general3A_5, %add3A : vector<512x512xf32>
    %max3A = arith.constant 0.000000e+00 : f32
    %max3A_10 = vector.broadcast %max3A : f32 to vector<512x512xf32>
    %max3A_11 = arith.maximumf %add3A_9, %max3A_10 : vector<512x512xf32>
    %mul3A = arith.constant 512 : i32
    %mul3A_12 = arith.muli %arg0, %mul3A : i32
    %iota3A = tpu.iota {dimensions = array<i32: 0>} : vector<512x1xi32>
    %add3A_13 = vector.broadcast %mul3A_12 : i32 to vector<512x1xi32>
    %add3A_14 = arith.addi %add3A_13, %iota3A : vector<512x1xi32>
    %lt3A = arith.constant 10000 : i32
    %lt3A_15 = vector.broadcast %lt3A : i32 to vector<512x1xi32>
    %lt3A_16 = arith.cmpi slt, %add3A_14, %lt3A_15 : vector<512x1xi32>
    %jit3A = arith.constant 0.000000e+00 : f32
    %broadcast_in_dim3A = vector.shape_cast %lt3A_16 : vector<512x1xi1> to vector<512x1xi1>
    %broadcast_in_dim3A_17 = vector.broadcast %broadcast_in_dim3A : vector<512x1xi1> to vector<512x512xi1>
    %broadcast_in_dim3A_18 = vector.broadcast %jit3A : f32 to vector<512x512xf32>
    %select_n3A = arith.select %broadcast_in_dim3A_17, %max3A_11, %broadcast_in_dim3A_18 : vector<512x512xi1>, vector<512x512xf32>
    %mul3A_19 = arith.mulf %select_n3A, %select_n3A : vector<512x512xf32>
    %reduce_sum3A = arith.constant dense<0.000000e+00> : vector<512xf32>
    %reduce_sum3A_20 = vector.multi_reduction <add>, %mul3A_19, %reduce_sum3A [1] : vector<512x512xf32> to vector<512xf32>
    %broadcast_in_dim3A_21 = vector.shape_cast %reduce_sum3A_20 : vector<512xf32> to vector<512x1xf32>
    %sqrt3A = math.sqrt %broadcast_in_dim3A_21 : vector<512x1xf32>
    %max3A_22 = arith.constant 9.99999996E-13 : f32
    %max3A_23 = vector.broadcast %max3A_22 : f32 to vector<512x1xf32>
    %max3A_24 = arith.maximumf %sqrt3A, %max3A_23 : vector<512x1xf32>
    %div3A = vector.broadcast %max3A_24 : vector<512x1xf32> to vector<512x512xf32>
    %div3A_25 = arith.divf %select_n3A, %div3A : vector<512x512xf32>
    %convert_element_type3A = arith.truncf %select_n3A : vector<512x512xf32> to vector<512x512xbf16>
    %swap3A = arith.constant 0 : index
    %swap3A_26 = arith.constant 0 : index
    %swap3A_27 = vector.load %arg4[%swap3A, %swap3A_26] : memref<512x512xbf16, #tpu.memory_space<vmem>>, vector<512x512xbf16>
    tpu.vector_store %arg4[%swap3A, %swap3A_26], %convert_element_type3A {strides = array<i32>} : memref<512x512xbf16, #tpu.memory_space<vmem>>, vector<512x512xbf16>,
    %convert_element_type3A_28 = arith.truncf %div3A_25 : vector<512x512xf32> to vector<512x512xbf16>
    %swap3A_29 = arith.constant 0 : index
    %swap3A_30 = arith.constant 0 : index
    %swap3A_31 = vector.load %arg5[%swap3A_29, %swap3A_30] : memref<512x512xbf16, #tpu.memory_space<vmem>>, vector<512x512xbf16>
    tpu.vector_store %arg5[%swap3A_29, %swap3A_30], %convert_element_type3A_28 {strides = array<i32>} : memref<512x512xbf16, #tpu.memory_space<vmem>>, vector<512x512xbf16>,
    return
  }
  func.func @transform_0(%arg0: i32) -> (i32, i32) {
    %c0_i32 = arith.constant 0 : i32
    %c0_i32_0 = arith.constant 0 : i32
    return %arg0, %c0_i32 : i32, i32
  }
  func.func @transform_1(%arg0: i32) -> (i32, i32) {
    %c0_i32 = arith.constant 0 : i32
    %c0_i32_0 = arith.constant 0 : i32
    %c0_i32_1 = arith.constant 0 : i32
    return %c0_i32, %c0_i32_0 : i32, i32
  }
  func.func @transform_2(%arg0: i32) -> (i32, i32) {
    %c0_i32 = arith.constant 0 : i32
    %c0_i32_0 = arith.constant 0 : i32
    %c0_i32_1 = arith.constant 0 : i32
    return %c0_i32, %c0_i32_0 : i32, i32
  }
  func.func @transform_3(%arg0: i32) -> (i32, i32) {
    %c0_i32 = arith.constant 0 : i32
    %c0_i32_0 = arith.constant 0 : i32
    return %arg0, %c0_i32 : i32, i32
  }
  func.func @transform_4(%arg0: i32) -> (i32, i32) {
    %c0_i32 = arith.constant 0 : i32
    %c0_i32_0 = arith.constant 0 : i32
    return %arg0, %c0_i32 : i32, i32
  }
}

module attributes {stable_mosaic.version = 14 : i64} {
  func.func @_prop_kernel(%arg0: i32, %arg1: i32, %arg2: memref<1x1xf32, #tpu.memory_space<smem>>, %arg3: memref<10240x512xbf16, #tpu.memory_space<vmem>>, %arg4: memref<10240x512xbf16, #tpu.memory_space<vmem>>, %arg5: memref<512x512xf32, #tpu.memory_space<vmem>>, %arg6: memref<512x512xf32, #tpu.memory_space<vmem>>, %arg7: memref<512x512xbf16, #tpu.memory_space<vmem>>, %arg8: memref<512x512xbf16, #tpu.memory_space<vmem>>, %arg9: memref<512x512xf32, #tpu.memory_space<vmem>>, %arg10: memref<512x1xf32, #tpu.memory_space<vmem>>) attributes {dimension_semantics = [#tpu.dimension_semantics<arbitrary>, #tpu.dimension_semantics<arbitrary>], iteration_bounds = array<i64: 20, 20>, scalar_prefetch = 0 : i64, scratch_operands = 2 : i64, tpu.core_type = #tpu.core_type<tc>, window_params = [{transform_indices = @transform_0, window_bounds = array<i64: 1, 1>}, {pipeline_mode = #tpu.pipeline_mode<synchronous>, transform_indices = @transform_1, window_bounds = array<i64: 10240, 512>}, {pipeline_mode = #tpu.pipeline_mode<synchronous>, transform_indices = @transform_2, window_bounds = array<i64: 10240, 512>}, {transform_indices = @transform_3, window_bounds = array<i64: 512, 512>}, {transform_indices = @transform_4, window_bounds = array<i64: 512, 512>}, {transform_indices = @transform_5, window_bounds = array<i64: 512, 512>}, {transform_indices = @transform_6, window_bounds = array<i64: 512, 512>}]} {
    %eq3A = arith.constant 0 : i32
    %eq3A_0 = arith.cmpi eq, %arg1, %eq3A : i32
    %convert_element_type3A = arith.extui %eq3A_0 : i1 to i32
    %cond3A = arith.constant 0 : i32
    %cond3A_1 = arith.cmpi ne, %convert_element_type3A, %cond3A : i32
    scf.if %cond3A_1 {
      %broadcast_in_dim3A_47 = arith.constant 0.000000e+00 : f32
      %broadcast_in_dim3A_48 = vector.broadcast %broadcast_in_dim3A_47 : f32 to vector<512x512xf32>
      %swap3A_49 = arith.constant 0 : index
      %swap3A_50 = arith.constant 0 : index
      %swap3A_51 = vector.load %arg9[%swap3A_49, %swap3A_50] : memref<512x512xf32, #tpu.memory_space<vmem>>, vector<512x512xf32>
      tpu.vector_store %arg9[%swap3A_49, %swap3A_50], %broadcast_in_dim3A_48 {strides = array<i32>} : memref<512x512xf32, #tpu.memory_space<vmem>>, vector<512x512xf32>,
      %broadcast_in_dim3A_52 = arith.constant 0.000000e+00 : f32
      %broadcast_in_dim3A_53 = vector.broadcast %broadcast_in_dim3A_52 : f32 to vector<512x1xf32>
      %swap3A_54 = arith.constant 0 : index
      %swap3A_55 = arith.constant 0 : index
      %swap3A_56 = vector.load %arg10[%swap3A_54, %swap3A_55] : memref<512x1xf32, #tpu.memory_space<vmem>>, vector<512x1xf32>
      tpu.vector_store %arg10[%swap3A_54, %swap3A_55], %broadcast_in_dim3A_53 {strides = array<i32>} : memref<512x1xf32, #tpu.memory_space<vmem>>, vector<512x1xf32>,
    } else {
    }
    %mul3A = arith.constant 512 : i32
    %mul3A_2 = arith.muli %arg0, %mul3A : i32
    %get3A = arith.index_cast %mul3A_2 : i32 to index
    %get3A_3 = arith.constant 0 : index
    %get3A_4 = vector.load %arg3[%get3A, %get3A_3] : memref<10240x512xbf16, #tpu.memory_space<vmem>>, vector<512x512xbf16>
    %get3A_5 = arith.constant 0 : index
    %get3A_6 = arith.constant 0 : index
    %get3A_7 = memref.load %arg2[%get3A_5, %get3A_6] : memref<1x1xf32, #tpu.memory_space<smem>>
    %convert_element_type3A_8 = arith.truncf %get3A_7 : f32 to bf16
    %mul3A_9 = vector.broadcast %convert_element_type3A_8 : bf16 to vector<512x512xbf16>
    %mul3A_10 = arith.mulf %get3A_4, %mul3A_9 : vector<512x512xbf16>
    %mul3A_11 = arith.constant 512 : i32
    %mul3A_12 = arith.muli %arg1, %mul3A_11 : i32
    %get3A_13 = arith.index_cast %mul3A_12 : i32 to index
    %get3A_14 = arith.constant 0 : index
    %get3A_15 = vector.load %arg3[%get3A_13, %get3A_14] : memref<10240x512xbf16, #tpu.memory_space<vmem>>, vector<512x512xbf16>
    %mul3A_16 = arith.constant 512 : i32
    %mul3A_17 = arith.muli %arg1, %mul3A_16 : i32
    %get3A_18 = arith.index_cast %mul3A_17 : i32 to index
    %get3A_19 = arith.constant 0 : index
    %get3A_20 = vector.load %arg4[%get3A_18, %get3A_19] : memref<10240x512xbf16, #tpu.memory_space<vmem>>, vector<512x512xbf16>
    %dot_general3A = arith.constant dense<0.000000e+00> : vector<512x512xf32>
    %dot_general3A_21 = tpu.matmul %mul3A_10, %get3A_15, %dot_general3A {dimension_numbers = #tpu.dot_dimension_numbers<[1], [1], [0], [0], [0, 0, 1, 0], [], []>, transpose_lhs_hint = false} : vector<512x512xbf16>, vector<512x512xbf16>, vector<512x512xf32> -> vector<512x512xf32>
    %exp3A = math.exp %dot_general3A_21 : vector<512x512xf32>
    %get3A_22 = arith.constant 0 : index
    %get3A_23 = arith.constant 0 : index
    %get3A_24 = vector.load %arg5[%get3A_22, %get3A_23] : memref<512x512xf32, #tpu.memory_space<vmem>>, vector<512x512xf32>
    %mul3A_25 = arith.mulf %get3A_24, %exp3A : vector<512x512xf32>
    %get3A_26 = arith.constant 0 : index
    %get3A_27 = arith.constant 0 : index
    %get3A_28 = vector.load %arg9[%get3A_26, %get3A_27] : memref<512x512xf32, #tpu.memory_space<vmem>>, vector<512x512xf32>
    %convert_element_type3A_29 = arith.truncf %mul3A_25 : vector<512x512xf32> to vector<512x512xbf16>
    %dot_general3A_30 = arith.constant dense<0.000000e+00> : vector<512x512xf32>
    %dot_general3A_31 = tpu.matmul %convert_element_type3A_29, %get3A_20, %dot_general3A_30 {dimension_numbers = #tpu.dot_dimension_numbers<[1], [0], [0], [1], [0, 0, 1, 1], [], []>, transpose_lhs_hint = false} : vector<512x512xbf16>, vector<512x512xbf16>, vector<512x512xf32> -> vector<512x512xf32>
    %add3A = arith.addf %get3A_28, %dot_general3A_31 : vector<512x512xf32>
    %swap3A = arith.constant 0 : index
    %swap3A_32 = arith.constant 0 : index
    %swap3A_33 = vector.load %arg9[%swap3A, %swap3A_32] : memref<512x512xf32, #tpu.memory_space<vmem>>, vector<512x512xf32>
    tpu.vector_store %arg9[%swap3A, %swap3A_32], %add3A {strides = array<i32>} : memref<512x512xf32, #tpu.memory_space<vmem>>, vector<512x512xf32>,
    %get3A_34 = arith.constant 0 : index
    %get3A_35 = arith.constant 0 : index
    %get3A_36 = vector.load %arg10[%get3A_34, %get3A_35] : memref<512x1xf32, #tpu.memory_space<vmem>>, vector<512x1xf32>
    %reduce_sum3A = arith.constant dense<0.000000e+00> : vector<512xf32>
    %reduce_sum3A_37 = vector.multi_reduction <add>, %mul3A_25, %reduce_sum3A [1] : vector<512x512xf32> to vector<512xf32>
    %broadcast_in_dim3A = vector.shape_cast %reduce_sum3A_37 : vector<512xf32> to vector<512x1xf32>
    %add3A_38 = arith.addf %get3A_36, %broadcast_in_dim3A : vector<512x1xf32>
    %swap3A_39 = arith.constant 0 : index
    %swap3A_40 = arith.constant 0 : index
    %swap3A_41 = vector.load %arg10[%swap3A_39, %swap3A_40] : memref<512x1xf32, #tpu.memory_space<vmem>>, vector<512x1xf32>
    tpu.vector_store %arg10[%swap3A_39, %swap3A_40], %add3A_38 {strides = array<i32>} : memref<512x1xf32, #tpu.memory_space<vmem>>, vector<512x1xf32>,
    %eq3A_42 = arith.constant 19 : i32
    %eq3A_43 = arith.cmpi eq, %arg1, %eq3A_42 : i32
    %convert_element_type3A_44 = arith.extui %eq3A_43 : i1 to i32
    %cond3A_45 = arith.constant 0 : i32
    %cond3A_46 = arith.cmpi ne, %convert_element_type3A_44, %cond3A_45 : i32
    scf.if %cond3A_46 {
      %get3A_47 = arith.constant 0 : index
      %get3A_48 = arith.constant 0 : index
      %get3A_49 = vector.load %arg9[%get3A_47, %get3A_48] : memref<512x512xf32, #tpu.memory_space<vmem>>, vector<512x512xf32>
      %get3A_50 = arith.constant 0 : index
      %get3A_51 = arith.constant 0 : index
      %get3A_52 = vector.load %arg10[%get3A_50, %get3A_51] : memref<512x1xf32, #tpu.memory_space<vmem>>, vector<512x1xf32>
      %max3A = arith.constant 1.000000e-16 : f32
      %max3A_53 = vector.broadcast %max3A : f32 to vector<512x1xf32>
      %max3A_54 = arith.maximumf %get3A_52, %max3A_53 : vector<512x1xf32>
      %div3A = vector.broadcast %max3A_54 : vector<512x1xf32> to vector<512x512xf32>
      %div3A_55 = arith.divf %get3A_49, %div3A : vector<512x512xf32>
      %swap3A_56 = arith.constant 0 : index
      %swap3A_57 = arith.constant 0 : index
      %swap3A_58 = vector.load %arg6[%swap3A_56, %swap3A_57] : memref<512x512xf32, #tpu.memory_space<vmem>>, vector<512x512xf32>
      tpu.vector_store %arg6[%swap3A_56, %swap3A_57], %div3A_55 {strides = array<i32>} : memref<512x512xf32, #tpu.memory_space<vmem>>, vector<512x512xf32>,
      %convert_element_type3A_59 = arith.truncf %div3A_55 : vector<512x512xf32> to vector<512x512xbf16>
      %swap3A_60 = arith.constant 0 : index
      %swap3A_61 = arith.constant 0 : index
      %swap3A_62 = vector.load %arg7[%swap3A_60, %swap3A_61] : memref<512x512xbf16, #tpu.memory_space<vmem>>, vector<512x512xbf16>
      tpu.vector_store %arg7[%swap3A_60, %swap3A_61], %convert_element_type3A_59 {strides = array<i32>} : memref<512x512xbf16, #tpu.memory_space<vmem>>, vector<512x512xbf16>,
      %mul3A_63 = arith.mulf %div3A_55, %div3A_55 : vector<512x512xf32>
      %reduce_sum3A_64 = arith.constant dense<0.000000e+00> : vector<512xf32>
      %reduce_sum3A_65 = vector.multi_reduction <add>, %mul3A_63, %reduce_sum3A_64 [1] : vector<512x512xf32> to vector<512xf32>
      %broadcast_in_dim3A_66 = vector.shape_cast %reduce_sum3A_65 : vector<512xf32> to vector<512x1xf32>
      %sqrt3A = math.sqrt %broadcast_in_dim3A_66 : vector<512x1xf32>
      %max3A_67 = arith.constant 9.99999996E-13 : f32
      %max3A_68 = vector.broadcast %max3A_67 : f32 to vector<512x1xf32>
      %max3A_69 = arith.maximumf %sqrt3A, %max3A_68 : vector<512x1xf32>
      %div3A_70 = vector.broadcast %max3A_69 : vector<512x1xf32> to vector<512x512xf32>
      %div3A_71 = arith.divf %div3A_55, %div3A_70 : vector<512x512xf32>
      %convert_element_type3A_72 = arith.truncf %div3A_71 : vector<512x512xf32> to vector<512x512xbf16>
      %swap3A_73 = arith.constant 0 : index
      %swap3A_74 = arith.constant 0 : index
      %swap3A_75 = vector.load %arg8[%swap3A_73, %swap3A_74] : memref<512x512xbf16, #tpu.memory_space<vmem>>, vector<512x512xbf16>
      tpu.vector_store %arg8[%swap3A_73, %swap3A_74], %convert_element_type3A_72 {strides = array<i32>} : memref<512x512xbf16, #tpu.memory_space<vmem>>, vector<512x512xbf16>,
    } else {
    }
    return
  }
  func.func @transform_0(%arg0: i32, %arg1: i32) -> (i32, i32) {
    %c0_i32 = arith.constant 0 : i32
    %c0_i32_0 = arith.constant 0 : i32
    %c0_i32_1 = arith.constant 0 : i32
    return %c0_i32, %c0_i32_0 : i32, i32
  }
  func.func @transform_1(%arg0: i32, %arg1: i32) -> (i32, i32) {
    %c0_i32 = arith.constant 0 : i32
    %c0_i32_0 = arith.constant 0 : i32
    %c0_i32_1 = arith.constant 0 : i32
    return %c0_i32, %c0_i32_0 : i32, i32
  }
  func.func @transform_2(%arg0: i32, %arg1: i32) -> (i32, i32) {
    %c0_i32 = arith.constant 0 : i32
    %c0_i32_0 = arith.constant 0 : i32
    %c0_i32_1 = arith.constant 0 : i32
    return %c0_i32, %c0_i32_0 : i32, i32
  }
  func.func @transform_3(%arg0: i32, %arg1: i32) -> (i32, i32) {
    %c0_i32 = arith.constant 0 : i32
    return %arg0, %arg1 : i32, i32
  }
  func.func @transform_4(%arg0: i32, %arg1: i32) -> (i32, i32) {
    %c0_i32 = arith.constant 0 : i32
    %c0_i32_0 = arith.constant 0 : i32
    return %arg0, %c0_i32 : i32, i32
  }
  func.func @transform_5(%arg0: i32, %arg1: i32) -> (i32, i32) {
    %c0_i32 = arith.constant 0 : i32
    %c0_i32_0 = arith.constant 0 : i32
    return %arg0, %c0_i32 : i32, i32
  }
  func.func @transform_6(%arg0: i32, %arg1: i32) -> (i32, i32) {
    %c0_i32 = arith.constant 0 : i32
    %c0_i32_0 = arith.constant 0 : i32
    return %arg0, %c0_i32 : i32, i32
  }
}

module attributes {stable_mosaic.version = 14 : i64} {
  func.func @_prop_kernel(%arg0: i32, %arg1: i32, %arg2: memref<1x1xf32, #tpu.memory_space<smem>>, %arg3: memref<10240x512xbf16, #tpu.memory_space<vmem>>, %arg4: memref<10240x512xbf16, #tpu.memory_space<vmem>>, %arg5: memref<512x512xf32, #tpu.memory_space<vmem>>, %arg6: memref<512x512xf32, #tpu.memory_space<vmem>>, %arg7: memref<512x512xbf16, #tpu.memory_space<vmem>>, %arg8: memref<512x512xbf16, #tpu.memory_space<vmem>>, %arg9: memref<512x512xf32, #tpu.memory_space<vmem>>, %arg10: memref<512x1xf32, #tpu.memory_space<vmem>>) attributes {dimension_semantics = [#tpu.dimension_semantics<arbitrary>, #tpu.dimension_semantics<arbitrary>], iteration_bounds = array<i64: 20, 20>, scalar_prefetch = 0 : i64, scratch_operands = 2 : i64, tpu.core_type = #tpu.core_type<tc>, window_params = [{transform_indices = @transform_0, window_bounds = array<i64: 1, 1>}, {pipeline_mode = #tpu.pipeline_mode<synchronous>, transform_indices = @transform_1, window_bounds = array<i64: 10240, 512>}, {pipeline_mode = #tpu.pipeline_mode<synchronous>, transform_indices = @transform_2, window_bounds = array<i64: 10240, 512>}, {transform_indices = @transform_3, window_bounds = array<i64: 512, 512>}, {transform_indices = @transform_4, window_bounds = array<i64: 512, 512>}, {transform_indices = @transform_5, window_bounds = array<i64: 512, 512>}, {transform_indices = @transform_6, window_bounds = array<i64: 512, 512>}]} {
    %eq3A = arith.constant 0 : i32
    %eq3A_0 = arith.cmpi eq, %arg1, %eq3A : i32
    %convert_element_type3A = arith.extui %eq3A_0 : i1 to i32
    %cond3A = arith.constant 0 : i32
    %cond3A_1 = arith.cmpi ne, %convert_element_type3A, %cond3A : i32
    scf.if %cond3A_1 {
      %broadcast_in_dim3A_47 = arith.constant 0.000000e+00 : f32
      %broadcast_in_dim3A_48 = vector.broadcast %broadcast_in_dim3A_47 : f32 to vector<512x512xf32>
      %swap3A_49 = arith.constant 0 : index
      %swap3A_50 = arith.constant 0 : index
      %swap3A_51 = vector.load %arg9[%swap3A_49, %swap3A_50] : memref<512x512xf32, #tpu.memory_space<vmem>>, vector<512x512xf32>
      tpu.vector_store %arg9[%swap3A_49, %swap3A_50], %broadcast_in_dim3A_48 {strides = array<i32>} : memref<512x512xf32, #tpu.memory_space<vmem>>, vector<512x512xf32>,
      %broadcast_in_dim3A_52 = arith.constant 0.000000e+00 : f32
      %broadcast_in_dim3A_53 = vector.broadcast %broadcast_in_dim3A_52 : f32 to vector<512x1xf32>
      %swap3A_54 = arith.constant 0 : index
      %swap3A_55 = arith.constant 0 : index
      %swap3A_56 = vector.load %arg10[%swap3A_54, %swap3A_55] : memref<512x1xf32, #tpu.memory_space<vmem>>, vector<512x1xf32>
      tpu.vector_store %arg10[%swap3A_54, %swap3A_55], %broadcast_in_dim3A_53 {strides = array<i32>} : memref<512x1xf32, #tpu.memory_space<vmem>>, vector<512x1xf32>,
    } else {
    }
    %mul3A = arith.constant 512 : i32
    %mul3A_2 = arith.muli %arg0, %mul3A : i32
    %get3A = arith.index_cast %mul3A_2 : i32 to index
    %get3A_3 = arith.constant 0 : index
    %get3A_4 = vector.load %arg3[%get3A, %get3A_3] : memref<10240x512xbf16, #tpu.memory_space<vmem>>, vector<512x512xbf16>
    %get3A_5 = arith.constant 0 : index
    %get3A_6 = arith.constant 0 : index
    %get3A_7 = memref.load %arg2[%get3A_5, %get3A_6] : memref<1x1xf32, #tpu.memory_space<smem>>
    %convert_element_type3A_8 = arith.truncf %get3A_7 : f32 to bf16
    %mul3A_9 = vector.broadcast %convert_element_type3A_8 : bf16 to vector<512x512xbf16>
    %mul3A_10 = arith.mulf %get3A_4, %mul3A_9 : vector<512x512xbf16>
    %mul3A_11 = arith.constant 512 : i32
    %mul3A_12 = arith.muli %arg1, %mul3A_11 : i32
    %get3A_13 = arith.index_cast %mul3A_12 : i32 to index
    %get3A_14 = arith.constant 0 : index
    %get3A_15 = vector.load %arg3[%get3A_13, %get3A_14] : memref<10240x512xbf16, #tpu.memory_space<vmem>>, vector<512x512xbf16>
    %mul3A_16 = arith.constant 512 : i32
    %mul3A_17 = arith.muli %arg1, %mul3A_16 : i32
    %get3A_18 = arith.index_cast %mul3A_17 : i32 to index
    %get3A_19 = arith.constant 0 : index
    %get3A_20 = vector.load %arg4[%get3A_18, %get3A_19] : memref<10240x512xbf16, #tpu.memory_space<vmem>>, vector<512x512xbf16>
    %dot_general3A = arith.constant dense<0.000000e+00> : vector<512x512xf32>
    %dot_general3A_21 = tpu.matmul %mul3A_10, %get3A_15, %dot_general3A {dimension_numbers = #tpu.dot_dimension_numbers<[1], [1], [0], [0], [0, 0, 1, 0], [], []>, transpose_lhs_hint = false} : vector<512x512xbf16>, vector<512x512xbf16>, vector<512x512xf32> -> vector<512x512xf32>
    %exp3A = math.exp %dot_general3A_21 : vector<512x512xf32>
    %get3A_22 = arith.constant 0 : index
    %get3A_23 = arith.constant 0 : index
    %get3A_24 = vector.load %arg5[%get3A_22, %get3A_23] : memref<512x512xf32, #tpu.memory_space<vmem>>, vector<512x512xf32>
    %mul3A_25 = arith.mulf %get3A_24, %exp3A : vector<512x512xf32>
    %get3A_26 = arith.constant 0 : index
    %get3A_27 = arith.constant 0 : index
    %get3A_28 = vector.load %arg9[%get3A_26, %get3A_27] : memref<512x512xf32, #tpu.memory_space<vmem>>, vector<512x512xf32>
    %convert_element_type3A_29 = arith.truncf %mul3A_25 : vector<512x512xf32> to vector<512x512xbf16>
    %dot_general3A_30 = arith.constant dense<0.000000e+00> : vector<512x512xf32>
    %dot_general3A_31 = tpu.matmul %convert_element_type3A_29, %get3A_20, %dot_general3A_30 {dimension_numbers = #tpu.dot_dimension_numbers<[1], [0], [0], [1], [0, 0, 1, 1], [], []>, transpose_lhs_hint = false} : vector<512x512xbf16>, vector<512x512xbf16>, vector<512x512xf32> -> vector<512x512xf32>
    %add3A = arith.addf %get3A_28, %dot_general3A_31 : vector<512x512xf32>
    %swap3A = arith.constant 0 : index
    %swap3A_32 = arith.constant 0 : index
    %swap3A_33 = vector.load %arg9[%swap3A, %swap3A_32] : memref<512x512xf32, #tpu.memory_space<vmem>>, vector<512x512xf32>
    tpu.vector_store %arg9[%swap3A, %swap3A_32], %add3A {strides = array<i32>} : memref<512x512xf32, #tpu.memory_space<vmem>>, vector<512x512xf32>,
    %get3A_34 = arith.constant 0 : index
    %get3A_35 = arith.constant 0 : index
    %get3A_36 = vector.load %arg10[%get3A_34, %get3A_35] : memref<512x1xf32, #tpu.memory_space<vmem>>, vector<512x1xf32>
    %reduce_sum3A = arith.constant dense<0.000000e+00> : vector<512xf32>
    %reduce_sum3A_37 = vector.multi_reduction <add>, %mul3A_25, %reduce_sum3A [1] : vector<512x512xf32> to vector<512xf32>
    %broadcast_in_dim3A = vector.shape_cast %reduce_sum3A_37 : vector<512xf32> to vector<512x1xf32>
    %add3A_38 = arith.addf %get3A_36, %broadcast_in_dim3A : vector<512x1xf32>
    %swap3A_39 = arith.constant 0 : index
    %swap3A_40 = arith.constant 0 : index
    %swap3A_41 = vector.load %arg10[%swap3A_39, %swap3A_40] : memref<512x1xf32, #tpu.memory_space<vmem>>, vector<512x1xf32>
    tpu.vector_store %arg10[%swap3A_39, %swap3A_40], %add3A_38 {strides = array<i32>} : memref<512x1xf32, #tpu.memory_space<vmem>>, vector<512x1xf32>,
    %eq3A_42 = arith.constant 19 : i32
    %eq3A_43 = arith.cmpi eq, %arg1, %eq3A_42 : i32
    %convert_element_type3A_44 = arith.extui %eq3A_43 : i1 to i32
    %cond3A_45 = arith.constant 0 : i32
    %cond3A_46 = arith.cmpi ne, %convert_element_type3A_44, %cond3A_45 : i32
    scf.if %cond3A_46 {
      %get3A_47 = arith.constant 0 : index
      %get3A_48 = arith.constant 0 : index
      %get3A_49 = vector.load %arg9[%get3A_47, %get3A_48] : memref<512x512xf32, #tpu.memory_space<vmem>>, vector<512x512xf32>
      %get3A_50 = arith.constant 0 : index
      %get3A_51 = arith.constant 0 : index
      %get3A_52 = vector.load %arg10[%get3A_50, %get3A_51] : memref<512x1xf32, #tpu.memory_space<vmem>>, vector<512x1xf32>
      %max3A = arith.constant 1.000000e-16 : f32
      %max3A_53 = vector.broadcast %max3A : f32 to vector<512x1xf32>
      %max3A_54 = arith.maximumf %get3A_52, %max3A_53 : vector<512x1xf32>
      %div3A = vector.broadcast %max3A_54 : vector<512x1xf32> to vector<512x512xf32>
      %div3A_55 = arith.divf %get3A_49, %div3A : vector<512x512xf32>
      %swap3A_56 = arith.constant 0 : index
      %swap3A_57 = arith.constant 0 : index
      %swap3A_58 = vector.load %arg6[%swap3A_56, %swap3A_57] : memref<512x512xf32, #tpu.memory_space<vmem>>, vector<512x512xf32>
      tpu.vector_store %arg6[%swap3A_56, %swap3A_57], %div3A_55 {strides = array<i32>} : memref<512x512xf32, #tpu.memory_space<vmem>>, vector<512x512xf32>,
      %convert_element_type3A_59 = arith.truncf %div3A_55 : vector<512x512xf32> to vector<512x512xbf16>
      %swap3A_60 = arith.constant 0 : index
      %swap3A_61 = arith.constant 0 : index
      %swap3A_62 = vector.load %arg7[%swap3A_60, %swap3A_61] : memref<512x512xbf16, #tpu.memory_space<vmem>>, vector<512x512xbf16>
      tpu.vector_store %arg7[%swap3A_60, %swap3A_61], %convert_element_type3A_59 {strides = array<i32>} : memref<512x512xbf16, #tpu.memory_space<vmem>>, vector<512x512xbf16>,
      %mul3A_63 = arith.mulf %div3A_55, %div3A_55 : vector<512x512xf32>
      %reduce_sum3A_64 = arith.constant dense<0.000000e+00> : vector<512xf32>
      %reduce_sum3A_65 = vector.multi_reduction <add>, %mul3A_63, %reduce_sum3A_64 [1] : vector<512x512xf32> to vector<512xf32>
      %broadcast_in_dim3A_66 = vector.shape_cast %reduce_sum3A_65 : vector<512xf32> to vector<512x1xf32>
      %sqrt3A = math.sqrt %broadcast_in_dim3A_66 : vector<512x1xf32>
      %max3A_67 = arith.constant 9.99999996E-13 : f32
      %max3A_68 = vector.broadcast %max3A_67 : f32 to vector<512x1xf32>
      %max3A_69 = arith.maximumf %sqrt3A, %max3A_68 : vector<512x1xf32>
      %div3A_70 = vector.broadcast %max3A_69 : vector<512x1xf32> to vector<512x512xf32>
      %div3A_71 = arith.divf %div3A_55, %div3A_70 : vector<512x512xf32>
      %convert_element_type3A_72 = arith.truncf %div3A_71 : vector<512x512xf32> to vector<512x512xbf16>
      %swap3A_73 = arith.constant 0 : index
      %swap3A_74 = arith.constant 0 : index
      %swap3A_75 = vector.load %arg8[%swap3A_73, %swap3A_74] : memref<512x512xbf16, #tpu.memory_space<vmem>>, vector<512x512xbf16>
      tpu.vector_store %arg8[%swap3A_73, %swap3A_74], %convert_element_type3A_72 {strides = array<i32>} : memref<512x512xbf16, #tpu.memory_space<vmem>>, vector<512x512xbf16>,
    } else {
    }
    return
  }
  func.func @transform_0(%arg0: i32, %arg1: i32) -> (i32, i32) {
    %c0_i32 = arith.constant 0 : i32
    %c0_i32_0 = arith.constant 0 : i32
    %c0_i32_1 = arith.constant 0 : i32
    return %c0_i32, %c0_i32_0 : i32, i32
  }
  func.func @transform_1(%arg0: i32, %arg1: i32) -> (i32, i32) {
    %c0_i32 = arith.constant 0 : i32
    %c0_i32_0 = arith.constant 0 : i32
    %c0_i32_1 = arith.constant 0 : i32
    return %c0_i32, %c0_i32_0 : i32, i32
  }
  func.func @transform_2(%arg0: i32, %arg1: i32) -> (i32, i32) {
    %c0_i32 = arith.constant 0 : i32
    %c0_i32_0 = arith.constant 0 : i32
    %c0_i32_1 = arith.constant 0 : i32
    return %c0_i32, %c0_i32_0 : i32, i32
  }
  func.func @transform_3(%arg0: i32, %arg1: i32) -> (i32, i32) {
    %c0_i32 = arith.constant 0 : i32
    return %arg0, %arg1 : i32, i32
  }
  func.func @transform_4(%arg0: i32, %arg1: i32) -> (i32, i32) {
    %c0_i32 = arith.constant 0 : i32
    %c0_i32_0 = arith.constant 0 : i32
    return %arg0, %c0_i32 : i32, i32
  }
  func.func @transform_5(%arg0: i32, %arg1: i32) -> (i32, i32) {
    %c0_i32 = arith.constant 0 : i32
    %c0_i32_0 = arith.constant 0 : i32
    return %arg0, %c0_i32 : i32, i32
  }
  func.func @transform_6(%arg0: i32, %arg1: i32) -> (i32, i32) {
    %c0_i32 = arith.constant 0 : i32
    %c0_i32_0 = arith.constant 0 : i32
    return %arg0, %c0_i32 : i32, i32
  }
}

module attributes {stable_mosaic.version = 14 : i64} {
  func.func @_stage3_kernel(%arg0: i32, %arg1: memref<1x512x1xi32, #tpu.memory_space<vmem>>, %arg2: memref<512x512xf32, #tpu.memory_space<vmem>>, %arg3: memref<512x256xf32, #tpu.memory_space<vmem>>, %arg4: memref<1x256xf32, #tpu.memory_space<vmem>>, %arg5: memref<512x40xf32, #tpu.memory_space<vmem>>, %arg6: memref<1x40xf32, #tpu.memory_space<vmem>>, %arg7: memref<16x40xf32, #tpu.memory_space<vmem>>, %arg8: memref<16x256xf32, #tpu.memory_space<vmem>>, %arg9: memref<16x256xf32, #tpu.memory_space<vmem>>, %arg10: memref<16x1xf32, #tpu.memory_space<vmem>>) attributes {dimension_semantics = [#tpu.dimension_semantics<arbitrary>], iteration_bounds = array<i64: 20>, scalar_prefetch = 0 : i64, scratch_operands = 3 : i64, tpu.core_type = #tpu.core_type<tc>, window_params = [{transform_indices = @transform_0, window_bounds = array<i64: 1, 512, 1>}, {transform_indices = @transform_1, window_bounds = array<i64: 512, 512>}, {pipeline_mode = #tpu.pipeline_mode<synchronous>, transform_indices = @transform_2, window_bounds = array<i64: 512, 256>}, {pipeline_mode = #tpu.pipeline_mode<synchronous>, transform_indices = @transform_3, window_bounds = array<i64: 1, 256>}, {pipeline_mode = #tpu.pipeline_mode<synchronous>, transform_indices = @transform_4, window_bounds = array<i64: 512, 40>}, {pipeline_mode = #tpu.pipeline_mode<synchronous>, transform_indices = @transform_5, window_bounds = array<i64: 1, 40>}, {pipeline_mode = #tpu.pipeline_mode<synchronous>, transform_indices = @transform_6, window_bounds = array<i64: 16, 40>}]} {
    %eq3A = arith.constant 0 : i32
    %eq3A_0 = arith.cmpi eq, %arg0, %eq3A : i32
    %convert_element_type3A = arith.extui %eq3A_0 : i1 to i32
    %cond3A = arith.constant 0 : i32
    %cond3A_1 = arith.cmpi ne, %convert_element_type3A, %cond3A : i32
    scf.if %cond3A_1 {
      %broadcast_in_dim3A_332 = arith.constant -3.400000e+38 : f32
      %broadcast_in_dim3A_333 = vector.broadcast %broadcast_in_dim3A_332 : f32 to vector<16x256xf32>
      %swap3A_334 = arith.constant 0 : index
      %swap3A_335 = arith.constant 0 : index
      %swap3A_336 = vector.load %arg8[%swap3A_334, %swap3A_335] : memref<16x256xf32, #tpu.memory_space<vmem>>, vector<16x256xf32>
      tpu.vector_store %arg8[%swap3A_334, %swap3A_335], %broadcast_in_dim3A_333 {strides = array<i32>} : memref<16x256xf32, #tpu.memory_space<vmem>>, vector<16x256xf32>,
      %broadcast_in_dim3A_337 = arith.constant 0.000000e+00 : f32
      %broadcast_in_dim3A_338 = vector.broadcast %broadcast_in_dim3A_337 : f32 to vector<16x256xf32>
      %swap3A_339 = arith.constant 0 : index
      %swap3A_340 = arith.constant 0 : index
      %swap3A_341 = vector.load %arg9[%swap3A_339, %swap3A_340] : memref<16x256xf32, #tpu.memory_space<vmem>>, vector<16x256xf32>
      tpu.vector_store %arg9[%swap3A_339, %swap3A_340], %broadcast_in_dim3A_338 {strides = array<i32>} : memref<16x256xf32, #tpu.memory_space<vmem>>, vector<16x256xf32>,
      %broadcast_in_dim3A_342 = arith.constant 0.000000e+00 : f32
      %broadcast_in_dim3A_343 = vector.broadcast %broadcast_in_dim3A_342 : f32 to vector<16x1xf32>
      %swap3A_344 = arith.constant 0 : index
      %swap3A_345 = arith.constant 0 : index
      %swap3A_346 = vector.load %arg10[%swap3A_344, %swap3A_345] : memref<16x1xf32, #tpu.memory_space<vmem>>, vector<16x1xf32>
      tpu.vector_store %arg10[%swap3A_344, %swap3A_345], %broadcast_in_dim3A_343 {strides = array<i32>} : memref<16x1xf32, #tpu.memory_space<vmem>>, vector<16x1xf32>,
    } else {
    }
    %get3A = arith.constant 0 : index
    %get3A_2 = arith.constant 0 : index
    %get3A_3 = vector.load %arg2[%get3A, %get3A_2] : memref<512x512xf32, #tpu.memory_space<vmem>>, vector<512x512xf32>
    %get3A_4 = arith.constant 0 : index
    %get3A_5 = arith.constant 0 : index
    %get3A_6 = vector.load %arg3[%get3A_4, %get3A_5] : memref<512x256xf32, #tpu.memory_space<vmem>>, vector<512x256xf32>
    %dot_general3A = arith.constant dense<0.000000e+00> : vector<512x256xf32>
    %dot_general3A_7 = tpu.matmul %get3A_3, %get3A_6, %dot_general3A {dimension_numbers = #tpu.dot_dimension_numbers<[1], [0], [0], [1], [0, 0, 1, 1], [], []>, transpose_lhs_hint = false} : vector<512x512xf32>, vector<512x256xf32>, vector<512x256xf32> -> vector<512x256xf32>
    %get3A_8 = arith.constant 0 : index
    %get3A_9 = arith.constant 0 : index
    %get3A_10 = vector.load %arg4[%get3A_8, %get3A_9] : memref<1x256xf32, #tpu.memory_space<vmem>>, vector<1x256xf32>
    %add3A = vector.broadcast %get3A_10 : vector<1x256xf32> to vector<512x256xf32>
    %add3A_11 = arith.addf %dot_general3A_7, %add3A : vector<512x256xf32>
    %max3A = arith.constant 0.000000e+00 : f32
    %max3A_12 = vector.broadcast %max3A : f32 to vector<512x256xf32>
    %max3A_13 = arith.maximumf %add3A_11, %max3A_12 : vector<512x256xf32>
    %get3A_14 = arith.constant 0 : index
    %get3A_15 = arith.constant 0 : index
    %get3A_16 = arith.constant 0 : index
    %get3A_17 = vector.load %arg1[%get3A_14, %get3A_15, %get3A_16] : memref<1x512x1xi32, #tpu.memory_space<vmem>>, vector<1x512x1xi32>
    %get3A_18 = vector.shape_cast %get3A_17 : vector<1x512x1xi32> to vector<512x1xi32>
    %iota3A = tpu.iota {dimensions = array<i32: 1>} : vector<1x16xi32>
    %eq3A_19 = vector.broadcast %get3A_18 : vector<512x1xi32> to vector<512x16xi32>
    %eq3A_20 = vector.broadcast %iota3A : vector<1x16xi32> to vector<512x16xi32>
    %eq3A_21 = arith.cmpi eq, %eq3A_19, %eq3A_20 : vector<512x16xi32>
    %convert_element_type3A_22 = arith.extui %eq3A_21 : vector<512x16xi1> to vector<512x16xi32>
    %convert_element_type3A_23 = arith.sitofp %convert_element_type3A_22 : vector<512x16xi32> to vector<512x16xf32>
    %get3A_24 = arith.constant 0 : index
    %get3A_25 = arith.constant 0 : index
    %get3A_26 = vector.load %arg9[%get3A_24, %get3A_25] : memref<16x256xf32, #tpu.memory_space<vmem>>, vector<16x256xf32>
    %dot_general3A_27 = arith.constant dense<0.000000e+00> : vector<16x256xf32>
    %dot_general3A_28 = tpu.matmul %convert_element_type3A_23, %max3A_13, %dot_general3A_27 {dimension_numbers = #tpu.dot_dimension_numbers<[0], [0], [1], [1], [0, 1, 1, 1], [], []>, transpose_lhs_hint = false} : vector<512x16xf32>, vector<512x256xf32>, vector<16x256xf32> -> vector<16x256xf32>
    %add3A_29 = arith.addf %get3A_26, %dot_general3A_28 : vector<16x256xf32>
    %swap3A = arith.constant 0 : index
    %swap3A_30 = arith.constant 0 : index
    %swap3A_31 = vector.load %arg9[%swap3A, %swap3A_30] : memref<16x256xf32, #tpu.memory_space<vmem>>, vector<16x256xf32>
    tpu.vector_store %arg9[%swap3A, %swap3A_30], %add3A_29 {strides = array<i32>} : memref<16x256xf32, #tpu.memory_space<vmem>>, vector<16x256xf32>,
    %get3A_32 = arith.constant 0 : index
    %get3A_33 = arith.constant 0 : index
    %get3A_34 = vector.load %arg10[%get3A_32, %get3A_33] : memref<16x1xf32, #tpu.memory_space<vmem>>, vector<16x1xf32>
    %broadcast_in_dim3A = arith.constant 1.000000e+00 : f32
    %broadcast_in_dim3A_35 = vector.broadcast %broadcast_in_dim3A : f32 to vector<512x1xf32>
    %dot_general3A_36 = arith.constant dense<0.000000e+00> : vector<16x1xf32>
    %dot_general3A_37 = tpu.matmul %convert_element_type3A_23, %broadcast_in_dim3A_35, %dot_general3A_36 {dimension_numbers = #tpu.dot_dimension_numbers<[0], [0], [1], [1], [0, 1, 1, 1], [], []>, transpose_lhs_hint = false} : vector<512x16xf32>, vector<512x1xf32>, vector<16x1xf32> -> vector<16x1xf32>
    %add3A_38 = arith.addf %get3A_34, %dot_general3A_37 : vector<16x1xf32>
    %swap3A_39 = arith.constant 0 : index
    %swap3A_40 = arith.constant 0 : index
    %swap3A_41 = vector.load %arg10[%swap3A_39, %swap3A_40] : memref<16x1xf32, #tpu.memory_space<vmem>>, vector<16x1xf32>
    tpu.vector_store %arg10[%swap3A_39, %swap3A_40], %add3A_38 {strides = array<i32>} : memref<16x1xf32, #tpu.memory_space<vmem>>, vector<16x1xf32>,
    %eq3A_42 = arith.constant 0 : i32
    %eq3A_43 = vector.broadcast %eq3A_42 : i32 to vector<512x1xi32>
    %eq3A_44 = arith.cmpi eq, %get3A_18, %eq3A_43 : vector<512x1xi32>
    %jit3A = arith.constant -3.400000e+38 : f32
    %broadcast_in_dim3A_45 = vector.shape_cast %eq3A_44 : vector<512x1xi1> to vector<512x1xi1>
    %broadcast_in_dim3A_46 = vector.broadcast %broadcast_in_dim3A_45 : vector<512x1xi1> to vector<512x256xi1>
    %broadcast_in_dim3A_47 = vector.broadcast %jit3A : f32 to vector<512x256xf32>
    %select_n3A = arith.select %broadcast_in_dim3A_46, %max3A_13, %broadcast_in_dim3A_47 : vector<512x256xi1>, vector<512x256xf32>
    %reduce_max3A = arith.constant dense<0xFF800000> : vector<256xf32>
    %reduce_max3A_48 = vector.multi_reduction <maximumf>, %select_n3A, %reduce_max3A [0] : vector<512x256xf32> to vector<256xf32>
    %broadcast_in_dim3A_49 = vector.shape_cast %reduce_max3A_48 : vector<256xf32> to vector<1x256xf32>
    %get3A_50 = arith.constant 0 : index
    %get3A_51 = arith.constant 0 : index
    %get3A_52 = vector.load %arg8[%get3A_50, %get3A_51] : memref<16x256xf32, #tpu.memory_space<vmem>>, vector<1x256xf32>
    %max3A_53 = arith.maximumf %get3A_52, %broadcast_in_dim3A_49 : vector<1x256xf32>
    %swap3A_54 = arith.constant 0 : index
    %swap3A_55 = arith.constant 0 : index
    %swap3A_56 = vector.load %arg8[%swap3A_54, %swap3A_55] : memref<16x256xf32, #tpu.memory_space<vmem>>, vector<1x256xf32>
    tpu.vector_store %arg8[%swap3A_54, %swap3A_55], %max3A_53 {strides = array<i32>} : memref<16x256xf32, #tpu.memory_space<vmem>>, vector<1x256xf32>,
    %eq3A_57 = arith.constant 1 : i32
    %eq3A_58 = vector.broadcast %eq3A_57 : i32 to vector<512x1xi32>
    %eq3A_59 = arith.cmpi eq, %get3A_18, %eq3A_58 : vector<512x1xi32>
    %jit3A_60 = arith.constant -3.400000e+38 : f32
    %broadcast_in_dim3A_61 = vector.shape_cast %eq3A_59 : vector<512x1xi1> to vector<512x1xi1>
    %broadcast_in_dim3A_62 = vector.broadcast %broadcast_in_dim3A_61 : vector<512x1xi1> to vector<512x256xi1>
    %broadcast_in_dim3A_63 = vector.broadcast %jit3A_60 : f32 to vector<512x256xf32>
    %select_n3A_64 = arith.select %broadcast_in_dim3A_62, %max3A_13, %broadcast_in_dim3A_63 : vector<512x256xi1>, vector<512x256xf32>
    %reduce_max3A_65 = arith.constant dense<0xFF800000> : vector<256xf32>
    %reduce_max3A_66 = vector.multi_reduction <maximumf>, %select_n3A_64, %reduce_max3A_65 [0] : vector<512x256xf32> to vector<256xf32>
    %broadcast_in_dim3A_67 = vector.shape_cast %reduce_max3A_66 : vector<256xf32> to vector<1x256xf32>
    %get3A_68 = arith.constant 1 : index
    %get3A_69 = arith.constant 0 : index
    %get3A_70 = vector.load %arg8[%get3A_68, %get3A_69] : memref<16x256xf32, #tpu.memory_space<vmem>>, vector<1x256xf32>
    %max3A_71 = arith.maximumf %get3A_70, %broadcast_in_dim3A_67 : vector<1x256xf32>
    %swap3A_72 = arith.constant 1 : index
    %swap3A_73 = arith.constant 0 : index
    %swap3A_74 = vector.load %arg8[%swap3A_72, %swap3A_73] : memref<16x256xf32, #tpu.memory_space<vmem>>, vector<1x256xf32>
    tpu.vector_store %arg8[%swap3A_72, %swap3A_73], %max3A_71 {strides = array<i32>} : memref<16x256xf32, #tpu.memory_space<vmem>>, vector<1x256xf32>,
    %eq3A_75 = arith.constant 2 : i32
    %eq3A_76 = vector.broadcast %eq3A_75 : i32 to vector<512x1xi32>
    %eq3A_77 = arith.cmpi eq, %get3A_18, %eq3A_76 : vector<512x1xi32>
    %jit3A_78 = arith.constant -3.400000e+38 : f32
    %broadcast_in_dim3A_79 = vector.shape_cast %eq3A_77 : vector<512x1xi1> to vector<512x1xi1>
    %broadcast_in_dim3A_80 = vector.broadcast %broadcast_in_dim3A_79 : vector<512x1xi1> to vector<512x256xi1>
    %broadcast_in_dim3A_81 = vector.broadcast %jit3A_78 : f32 to vector<512x256xf32>
    %select_n3A_82 = arith.select %broadcast_in_dim3A_80, %max3A_13, %broadcast_in_dim3A_81 : vector<512x256xi1>, vector<512x256xf32>
    %reduce_max3A_83 = arith.constant dense<0xFF800000> : vector<256xf32>
    %reduce_max3A_84 = vector.multi_reduction <maximumf>, %select_n3A_82, %reduce_max3A_83 [0] : vector<512x256xf32> to vector<256xf32>
    %broadcast_in_dim3A_85 = vector.shape_cast %reduce_max3A_84 : vector<256xf32> to vector<1x256xf32>
    %get3A_86 = arith.constant 2 : index
    %get3A_87 = arith.constant 0 : index
    %get3A_88 = vector.load %arg8[%get3A_86, %get3A_87] : memref<16x256xf32, #tpu.memory_space<vmem>>, vector<1x256xf32>
    %max3A_89 = arith.maximumf %get3A_88, %broadcast_in_dim3A_85 : vector<1x256xf32>
    %swap3A_90 = arith.constant 2 : index
    %swap3A_91 = arith.constant 0 : index
    %swap3A_92 = vector.load %arg8[%swap3A_90, %swap3A_91] : memref<16x256xf32, #tpu.memory_space<vmem>>, vector<1x256xf32>
    tpu.vector_store %arg8[%swap3A_90, %swap3A_91], %max3A_89 {strides = array<i32>} : memref<16x256xf32, #tpu.memory_space<vmem>>, vector<1x256xf32>,
    %eq3A_93 = arith.constant 3 : i32
    %eq3A_94 = vector.broadcast %eq3A_93 : i32 to vector<512x1xi32>
    %eq3A_95 = arith.cmpi eq, %get3A_18, %eq3A_94 : vector<512x1xi32>
    %jit3A_96 = arith.constant -3.400000e+38 : f32
    %broadcast_in_dim3A_97 = vector.shape_cast %eq3A_95 : vector<512x1xi1> to vector<512x1xi1>
    %broadcast_in_dim3A_98 = vector.broadcast %broadcast_in_dim3A_97 : vector<512x1xi1> to vector<512x256xi1>
    %broadcast_in_dim3A_99 = vector.broadcast %jit3A_96 : f32 to vector<512x256xf32>
    %select_n3A_100 = arith.select %broadcast_in_dim3A_98, %max3A_13, %broadcast_in_dim3A_99 : vector<512x256xi1>, vector<512x256xf32>
    %reduce_max3A_101 = arith.constant dense<0xFF800000> : vector<256xf32>
    %reduce_max3A_102 = vector.multi_reduction <maximumf>, %select_n3A_100, %reduce_max3A_101 [0] : vector<512x256xf32> to vector<256xf32>
    %broadcast_in_dim3A_103 = vector.shape_cast %reduce_max3A_102 : vector<256xf32> to vector<1x256xf32>
    %get3A_104 = arith.constant 3 : index
    %get3A_105 = arith.constant 0 : index
    %get3A_106 = vector.load %arg8[%get3A_104, %get3A_105] : memref<16x256xf32, #tpu.memory_space<vmem>>, vector<1x256xf32>
    %max3A_107 = arith.maximumf %get3A_106, %broadcast_in_dim3A_103 : vector<1x256xf32>
    %swap3A_108 = arith.constant 3 : index
    %swap3A_109 = arith.constant 0 : index
    %swap3A_110 = vector.load %arg8[%swap3A_108, %swap3A_109] : memref<16x256xf32, #tpu.memory_space<vmem>>, vector<1x256xf32>
    tpu.vector_store %arg8[%swap3A_108, %swap3A_109], %max3A_107 {strides = array<i32>} : memref<16x256xf32, #tpu.memory_space<vmem>>, vector<1x256xf32>,
    %eq3A_111 = arith.constant 4 : i32
    %eq3A_112 = vector.broadcast %eq3A_111 : i32 to vector<512x1xi32>
    %eq3A_113 = arith.cmpi eq, %get3A_18, %eq3A_112 : vector<512x1xi32>
    %jit3A_114 = arith.constant -3.400000e+38 : f32
    %broadcast_in_dim3A_115 = vector.shape_cast %eq3A_113 : vector<512x1xi1> to vector<512x1xi1>
    %broadcast_in_dim3A_116 = vector.broadcast %broadcast_in_dim3A_115 : vector<512x1xi1> to vector<512x256xi1>
    %broadcast_in_dim3A_117 = vector.broadcast %jit3A_114 : f32 to vector<512x256xf32>
    %select_n3A_118 = arith.select %broadcast_in_dim3A_116, %max3A_13, %broadcast_in_dim3A_117 : vector<512x256xi1>, vector<512x256xf32>
    %reduce_max3A_119 = arith.constant dense<0xFF800000> : vector<256xf32>
    %reduce_max3A_120 = vector.multi_reduction <maximumf>, %select_n3A_118, %reduce_max3A_119 [0] : vector<512x256xf32> to vector<256xf32>
    %broadcast_in_dim3A_121 = vector.shape_cast %reduce_max3A_120 : vector<256xf32> to vector<1x256xf32>
    %get3A_122 = arith.constant 4 : index
    %get3A_123 = arith.constant 0 : index
    %get3A_124 = vector.load %arg8[%get3A_122, %get3A_123] : memref<16x256xf32, #tpu.memory_space<vmem>>, vector<1x256xf32>
    %max3A_125 = arith.maximumf %get3A_124, %broadcast_in_dim3A_121 : vector<1x256xf32>
    %swap3A_126 = arith.constant 4 : index
    %swap3A_127 = arith.constant 0 : index
    %swap3A_128 = vector.load %arg8[%swap3A_126, %swap3A_127] : memref<16x256xf32, #tpu.memory_space<vmem>>, vector<1x256xf32>
    tpu.vector_store %arg8[%swap3A_126, %swap3A_127], %max3A_125 {strides = array<i32>} : memref<16x256xf32, #tpu.memory_space<vmem>>, vector<1x256xf32>,
    %eq3A_129 = arith.constant 5 : i32
    %eq3A_130 = vector.broadcast %eq3A_129 : i32 to vector<512x1xi32>
    %eq3A_131 = arith.cmpi eq, %get3A_18, %eq3A_130 : vector<512x1xi32>
    %jit3A_132 = arith.constant -3.400000e+38 : f32
    %broadcast_in_dim3A_133 = vector.shape_cast %eq3A_131 : vector<512x1xi1> to vector<512x1xi1>
    %broadcast_in_dim3A_134 = vector.broadcast %broadcast_in_dim3A_133 : vector<512x1xi1> to vector<512x256xi1>
    %broadcast_in_dim3A_135 = vector.broadcast %jit3A_132 : f32 to vector<512x256xf32>
    %select_n3A_136 = arith.select %broadcast_in_dim3A_134, %max3A_13, %broadcast_in_dim3A_135 : vector<512x256xi1>, vector<512x256xf32>
    %reduce_max3A_137 = arith.constant dense<0xFF800000> : vector<256xf32>
    %reduce_max3A_138 = vector.multi_reduction <maximumf>, %select_n3A_136, %reduce_max3A_137 [0] : vector<512x256xf32> to vector<256xf32>
    %broadcast_in_dim3A_139 = vector.shape_cast %reduce_max3A_138 : vector<256xf32> to vector<1x256xf32>
    %get3A_140 = arith.constant 5 : index
    %get3A_141 = arith.constant 0 : index
    %get3A_142 = vector.load %arg8[%get3A_140, %get3A_141] : memref<16x256xf32, #tpu.memory_space<vmem>>, vector<1x256xf32>
    %max3A_143 = arith.maximumf %get3A_142, %broadcast_in_dim3A_139 : vector<1x256xf32>
    %swap3A_144 = arith.constant 5 : index
    %swap3A_145 = arith.constant 0 : index
    %swap3A_146 = vector.load %arg8[%swap3A_144, %swap3A_145] : memref<16x256xf32, #tpu.memory_space<vmem>>, vector<1x256xf32>
    tpu.vector_store %arg8[%swap3A_144, %swap3A_145], %max3A_143 {strides = array<i32>} : memref<16x256xf32, #tpu.memory_space<vmem>>, vector<1x256xf32>,
    %eq3A_147 = arith.constant 6 : i32
    %eq3A_148 = vector.broadcast %eq3A_147 : i32 to vector<512x1xi32>
    %eq3A_149 = arith.cmpi eq, %get3A_18, %eq3A_148 : vector<512x1xi32>
    %jit3A_150 = arith.constant -3.400000e+38 : f32
    %broadcast_in_dim3A_151 = vector.shape_cast %eq3A_149 : vector<512x1xi1> to vector<512x1xi1>
    %broadcast_in_dim3A_152 = vector.broadcast %broadcast_in_dim3A_151 : vector<512x1xi1> to vector<512x256xi1>
    %broadcast_in_dim3A_153 = vector.broadcast %jit3A_150 : f32 to vector<512x256xf32>
    %select_n3A_154 = arith.select %broadcast_in_dim3A_152, %max3A_13, %broadcast_in_dim3A_153 : vector<512x256xi1>, vector<512x256xf32>
    %reduce_max3A_155 = arith.constant dense<0xFF800000> : vector<256xf32>
    %reduce_max3A_156 = vector.multi_reduction <maximumf>, %select_n3A_154, %reduce_max3A_155 [0] : vector<512x256xf32> to vector<256xf32>
    %broadcast_in_dim3A_157 = vector.shape_cast %reduce_max3A_156 : vector<256xf32> to vector<1x256xf32>
    %get3A_158 = arith.constant 6 : index
    %get3A_159 = arith.constant 0 : index
    %get3A_160 = vector.load %arg8[%get3A_158, %get3A_159] : memref<16x256xf32, #tpu.memory_space<vmem>>, vector<1x256xf32>
    %max3A_161 = arith.maximumf %get3A_160, %broadcast_in_dim3A_157 : vector<1x256xf32>
    %swap3A_162 = arith.constant 6 : index
    %swap3A_163 = arith.constant 0 : index
    %swap3A_164 = vector.load %arg8[%swap3A_162, %swap3A_163] : memref<16x256xf32, #tpu.memory_space<vmem>>, vector<1x256xf32>
    tpu.vector_store %arg8[%swap3A_162, %swap3A_163], %max3A_161 {strides = array<i32>} : memref<16x256xf32, #tpu.memory_space<vmem>>, vector<1x256xf32>,
    %eq3A_165 = arith.constant 7 : i32
    %eq3A_166 = vector.broadcast %eq3A_165 : i32 to vector<512x1xi32>
    %eq3A_167 = arith.cmpi eq, %get3A_18, %eq3A_166 : vector<512x1xi32>
    %jit3A_168 = arith.constant -3.400000e+38 : f32
    %broadcast_in_dim3A_169 = vector.shape_cast %eq3A_167 : vector<512x1xi1> to vector<512x1xi1>
    %broadcast_in_dim3A_170 = vector.broadcast %broadcast_in_dim3A_169 : vector<512x1xi1> to vector<512x256xi1>
    %broadcast_in_dim3A_171 = vector.broadcast %jit3A_168 : f32 to vector<512x256xf32>
    %select_n3A_172 = arith.select %broadcast_in_dim3A_170, %max3A_13, %broadcast_in_dim3A_171 : vector<512x256xi1>, vector<512x256xf32>
    %reduce_max3A_173 = arith.constant dense<0xFF800000> : vector<256xf32>
    %reduce_max3A_174 = vector.multi_reduction <maximumf>, %select_n3A_172, %reduce_max3A_173 [0] : vector<512x256xf32> to vector<256xf32>
    %broadcast_in_dim3A_175 = vector.shape_cast %reduce_max3A_174 : vector<256xf32> to vector<1x256xf32>
    %get3A_176 = arith.constant 7 : index
    %get3A_177 = arith.constant 0 : index
    %get3A_178 = vector.load %arg8[%get3A_176, %get3A_177] : memref<16x256xf32, #tpu.memory_space<vmem>>, vector<1x256xf32>
    %max3A_179 = arith.maximumf %get3A_178, %broadcast_in_dim3A_175 : vector<1x256xf32>
    %swap3A_180 = arith.constant 7 : index
    %swap3A_181 = arith.constant 0 : index
    %swap3A_182 = vector.load %arg8[%swap3A_180, %swap3A_181] : memref<16x256xf32, #tpu.memory_space<vmem>>, vector<1x256xf32>
    tpu.vector_store %arg8[%swap3A_180, %swap3A_181], %max3A_179 {strides = array<i32>} : memref<16x256xf32, #tpu.memory_space<vmem>>, vector<1x256xf32>,
    %eq3A_183 = arith.constant 8 : i32
    %eq3A_184 = vector.broadcast %eq3A_183 : i32 to vector<512x1xi32>
    %eq3A_185 = arith.cmpi eq, %get3A_18, %eq3A_184 : vector<512x1xi32>
    %jit3A_186 = arith.constant -3.400000e+38 : f32
    %broadcast_in_dim3A_187 = vector.shape_cast %eq3A_185 : vector<512x1xi1> to vector<512x1xi1>
    %broadcast_in_dim3A_188 = vector.broadcast %broadcast_in_dim3A_187 : vector<512x1xi1> to vector<512x256xi1>
    %broadcast_in_dim3A_189 = vector.broadcast %jit3A_186 : f32 to vector<512x256xf32>
    %select_n3A_190 = arith.select %broadcast_in_dim3A_188, %max3A_13, %broadcast_in_dim3A_189 : vector<512x256xi1>, vector<512x256xf32>
    %reduce_max3A_191 = arith.constant dense<0xFF800000> : vector<256xf32>
    %reduce_max3A_192 = vector.multi_reduction <maximumf>, %select_n3A_190, %reduce_max3A_191 [0] : vector<512x256xf32> to vector<256xf32>
    %broadcast_in_dim3A_193 = vector.shape_cast %reduce_max3A_192 : vector<256xf32> to vector<1x256xf32>
    %get3A_194 = arith.constant 8 : index
    %get3A_195 = arith.constant 0 : index
    %get3A_196 = vector.load %arg8[%get3A_194, %get3A_195] : memref<16x256xf32, #tpu.memory_space<vmem>>, vector<1x256xf32>
    %max3A_197 = arith.maximumf %get3A_196, %broadcast_in_dim3A_193 : vector<1x256xf32>
    %swap3A_198 = arith.constant 8 : index
    %swap3A_199 = arith.constant 0 : index
    %swap3A_200 = vector.load %arg8[%swap3A_198, %swap3A_199] : memref<16x256xf32, #tpu.memory_space<vmem>>, vector<1x256xf32>
    tpu.vector_store %arg8[%swap3A_198, %swap3A_199], %max3A_197 {strides = array<i32>} : memref<16x256xf32, #tpu.memory_space<vmem>>, vector<1x256xf32>,
    %eq3A_201 = arith.constant 9 : i32
    %eq3A_202 = vector.broadcast %eq3A_201 : i32 to vector<512x1xi32>
    %eq3A_203 = arith.cmpi eq, %get3A_18, %eq3A_202 : vector<512x1xi32>
    %jit3A_204 = arith.constant -3.400000e+38 : f32
    %broadcast_in_dim3A_205 = vector.shape_cast %eq3A_203 : vector<512x1xi1> to vector<512x1xi1>
    %broadcast_in_dim3A_206 = vector.broadcast %broadcast_in_dim3A_205 : vector<512x1xi1> to vector<512x256xi1>
    %broadcast_in_dim3A_207 = vector.broadcast %jit3A_204 : f32 to vector<512x256xf32>
    %select_n3A_208 = arith.select %broadcast_in_dim3A_206, %max3A_13, %broadcast_in_dim3A_207 : vector<512x256xi1>, vector<512x256xf32>
    %reduce_max3A_209 = arith.constant dense<0xFF800000> : vector<256xf32>
    %reduce_max3A_210 = vector.multi_reduction <maximumf>, %select_n3A_208, %reduce_max3A_209 [0] : vector<512x256xf32> to vector<256xf32>
    %broadcast_in_dim3A_211 = vector.shape_cast %reduce_max3A_210 : vector<256xf32> to vector<1x256xf32>
    %get3A_212 = arith.constant 9 : index
    %get3A_213 = arith.constant 0 : index
    %get3A_214 = vector.load %arg8[%get3A_212, %get3A_213] : memref<16x256xf32, #tpu.memory_space<vmem>>, vector<1x256xf32>
    %max3A_215 = arith.maximumf %get3A_214, %broadcast_in_dim3A_211 : vector<1x256xf32>
    %swap3A_216 = arith.constant 9 : index
    %swap3A_217 = arith.constant 0 : index
    %swap3A_218 = vector.load %arg8[%swap3A_216, %swap3A_217] : memref<16x256xf32, #tpu.memory_space<vmem>>, vector<1x256xf32>
    tpu.vector_store %arg8[%swap3A_216, %swap3A_217], %max3A_215 {strides = array<i32>} : memref<16x256xf32, #tpu.memory_space<vmem>>, vector<1x256xf32>,
    %eq3A_219 = arith.constant 10 : i32
    %eq3A_220 = vector.broadcast %eq3A_219 : i32 to vector<512x1xi32>
    %eq3A_221 = arith.cmpi eq, %get3A_18, %eq3A_220 : vector<512x1xi32>
    %jit3A_222 = arith.constant -3.400000e+38 : f32
    %broadcast_in_dim3A_223 = vector.shape_cast %eq3A_221 : vector<512x1xi1> to vector<512x1xi1>
    %broadcast_in_dim3A_224 = vector.broadcast %broadcast_in_dim3A_223 : vector<512x1xi1> to vector<512x256xi1>
    %broadcast_in_dim3A_225 = vector.broadcast %jit3A_222 : f32 to vector<512x256xf32>
    %select_n3A_226 = arith.select %broadcast_in_dim3A_224, %max3A_13, %broadcast_in_dim3A_225 : vector<512x256xi1>, vector<512x256xf32>
    %reduce_max3A_227 = arith.constant dense<0xFF800000> : vector<256xf32>
    %reduce_max3A_228 = vector.multi_reduction <maximumf>, %select_n3A_226, %reduce_max3A_227 [0] : vector<512x256xf32> to vector<256xf32>
    %broadcast_in_dim3A_229 = vector.shape_cast %reduce_max3A_228 : vector<256xf32> to vector<1x256xf32>
    %get3A_230 = arith.constant 10 : index
    %get3A_231 = arith.constant 0 : index
    %get3A_232 = vector.load %arg8[%get3A_230, %get3A_231] : memref<16x256xf32, #tpu.memory_space<vmem>>, vector<1x256xf32>
    %max3A_233 = arith.maximumf %get3A_232, %broadcast_in_dim3A_229 : vector<1x256xf32>
    %swap3A_234 = arith.constant 10 : index
    %swap3A_235 = arith.constant 0 : index
    %swap3A_236 = vector.load %arg8[%swap3A_234, %swap3A_235] : memref<16x256xf32, #tpu.memory_space<vmem>>, vector<1x256xf32>
    tpu.vector_store %arg8[%swap3A_234, %swap3A_235], %max3A_233 {strides = array<i32>} : memref<16x256xf32, #tpu.memory_space<vmem>>, vector<1x256xf32>,
    %eq3A_237 = arith.constant 11 : i32
    %eq3A_238 = vector.broadcast %eq3A_237 : i32 to vector<512x1xi32>
    %eq3A_239 = arith.cmpi eq, %get3A_18, %eq3A_238 : vector<512x1xi32>
    %jit3A_240 = arith.constant -3.400000e+38 : f32
    %broadcast_in_dim3A_241 = vector.shape_cast %eq3A_239 : vector<512x1xi1> to vector<512x1xi1>
    %broadcast_in_dim3A_242 = vector.broadcast %broadcast_in_dim3A_241 : vector<512x1xi1> to vector<512x256xi1>
    %broadcast_in_dim3A_243 = vector.broadcast %jit3A_240 : f32 to vector<512x256xf32>
    %select_n3A_244 = arith.select %broadcast_in_dim3A_242, %max3A_13, %broadcast_in_dim3A_243 : vector<512x256xi1>, vector<512x256xf32>
    %reduce_max3A_245 = arith.constant dense<0xFF800000> : vector<256xf32>
    %reduce_max3A_246 = vector.multi_reduction <maximumf>, %select_n3A_244, %reduce_max3A_245 [0] : vector<512x256xf32> to vector<256xf32>
    %broadcast_in_dim3A_247 = vector.shape_cast %reduce_max3A_246 : vector<256xf32> to vector<1x256xf32>
    %get3A_248 = arith.constant 11 : index
    %get3A_249 = arith.constant 0 : index
    %get3A_250 = vector.load %arg8[%get3A_248, %get3A_249] : memref<16x256xf32, #tpu.memory_space<vmem>>, vector<1x256xf32>
    %max3A_251 = arith.maximumf %get3A_250, %broadcast_in_dim3A_247 : vector<1x256xf32>
    %swap3A_252 = arith.constant 11 : index
    %swap3A_253 = arith.constant 0 : index
    %swap3A_254 = vector.load %arg8[%swap3A_252, %swap3A_253] : memref<16x256xf32, #tpu.memory_space<vmem>>, vector<1x256xf32>
    tpu.vector_store %arg8[%swap3A_252, %swap3A_253], %max3A_251 {strides = array<i32>} : memref<16x256xf32, #tpu.memory_space<vmem>>, vector<1x256xf32>,
    %eq3A_255 = arith.constant 12 : i32
    %eq3A_256 = vector.broadcast %eq3A_255 : i32 to vector<512x1xi32>
    %eq3A_257 = arith.cmpi eq, %get3A_18, %eq3A_256 : vector<512x1xi32>
    %jit3A_258 = arith.constant -3.400000e+38 : f32
    %broadcast_in_dim3A_259 = vector.shape_cast %eq3A_257 : vector<512x1xi1> to vector<512x1xi1>
    %broadcast_in_dim3A_260 = vector.broadcast %broadcast_in_dim3A_259 : vector<512x1xi1> to vector<512x256xi1>
    %broadcast_in_dim3A_261 = vector.broadcast %jit3A_258 : f32 to vector<512x256xf32>
    %select_n3A_262 = arith.select %broadcast_in_dim3A_260, %max3A_13, %broadcast_in_dim3A_261 : vector<512x256xi1>, vector<512x256xf32>
    %reduce_max3A_263 = arith.constant dense<0xFF800000> : vector<256xf32>
    %reduce_max3A_264 = vector.multi_reduction <maximumf>, %select_n3A_262, %reduce_max3A_263 [0] : vector<512x256xf32> to vector<256xf32>
    %broadcast_in_dim3A_265 = vector.shape_cast %reduce_max3A_264 : vector<256xf32> to vector<1x256xf32>
    %get3A_266 = arith.constant 12 : index
    %get3A_267 = arith.constant 0 : index
    %get3A_268 = vector.load %arg8[%get3A_266, %get3A_267] : memref<16x256xf32, #tpu.memory_space<vmem>>, vector<1x256xf32>
    %max3A_269 = arith.maximumf %get3A_268, %broadcast_in_dim3A_265 : vector<1x256xf32>
    %swap3A_270 = arith.constant 12 : index
    %swap3A_271 = arith.constant 0 : index
    %swap3A_272 = vector.load %arg8[%swap3A_270, %swap3A_271] : memref<16x256xf32, #tpu.memory_space<vmem>>, vector<1x256xf32>
    tpu.vector_store %arg8[%swap3A_270, %swap3A_271], %max3A_269 {strides = array<i32>} : memref<16x256xf32, #tpu.memory_space<vmem>>, vector<1x256xf32>,
    %eq3A_273 = arith.constant 13 : i32
    %eq3A_274 = vector.broadcast %eq3A_273 : i32 to vector<512x1xi32>
    %eq3A_275 = arith.cmpi eq, %get3A_18, %eq3A_274 : vector<512x1xi32>
    %jit3A_276 = arith.constant -3.400000e+38 : f32
    %broadcast_in_dim3A_277 = vector.shape_cast %eq3A_275 : vector<512x1xi1> to vector<512x1xi1>
    %broadcast_in_dim3A_278 = vector.broadcast %broadcast_in_dim3A_277 : vector<512x1xi1> to vector<512x256xi1>
    %broadcast_in_dim3A_279 = vector.broadcast %jit3A_276 : f32 to vector<512x256xf32>
    %select_n3A_280 = arith.select %broadcast_in_dim3A_278, %max3A_13, %broadcast_in_dim3A_279 : vector<512x256xi1>, vector<512x256xf32>
    %reduce_max3A_281 = arith.constant dense<0xFF800000> : vector<256xf32>
    %reduce_max3A_282 = vector.multi_reduction <maximumf>, %select_n3A_280, %reduce_max3A_281 [0] : vector<512x256xf32> to vector<256xf32>
    %broadcast_in_dim3A_283 = vector.shape_cast %reduce_max3A_282 : vector<256xf32> to vector<1x256xf32>
    %get3A_284 = arith.constant 13 : index
    %get3A_285 = arith.constant 0 : index
    %get3A_286 = vector.load %arg8[%get3A_284, %get3A_285] : memref<16x256xf32, #tpu.memory_space<vmem>>, vector<1x256xf32>
    %max3A_287 = arith.maximumf %get3A_286, %broadcast_in_dim3A_283 : vector<1x256xf32>
    %swap3A_288 = arith.constant 13 : index
    %swap3A_289 = arith.constant 0 : index
    %swap3A_290 = vector.load %arg8[%swap3A_288, %swap3A_289] : memref<16x256xf32, #tpu.memory_space<vmem>>, vector<1x256xf32>
    tpu.vector_store %arg8[%swap3A_288, %swap3A_289], %max3A_287 {strides = array<i32>} : memref<16x256xf32, #tpu.memory_space<vmem>>, vector<1x256xf32>,
    %eq3A_291 = arith.constant 14 : i32
    %eq3A_292 = vector.broadcast %eq3A_291 : i32 to vector<512x1xi32>
    %eq3A_293 = arith.cmpi eq, %get3A_18, %eq3A_292 : vector<512x1xi32>
    %jit3A_294 = arith.constant -3.400000e+38 : f32
    %broadcast_in_dim3A_295 = vector.shape_cast %eq3A_293 : vector<512x1xi1> to vector<512x1xi1>
    %broadcast_in_dim3A_296 = vector.broadcast %broadcast_in_dim3A_295 : vector<512x1xi1> to vector<512x256xi1>
    %broadcast_in_dim3A_297 = vector.broadcast %jit3A_294 : f32 to vector<512x256xf32>
    %select_n3A_298 = arith.select %broadcast_in_dim3A_296, %max3A_13, %broadcast_in_dim3A_297 : vector<512x256xi1>, vector<512x256xf32>
    %reduce_max3A_299 = arith.constant dense<0xFF800000> : vector<256xf32>
    %reduce_max3A_300 = vector.multi_reduction <maximumf>, %select_n3A_298, %reduce_max3A_299 [0] : vector<512x256xf32> to vector<256xf32>
    %broadcast_in_dim3A_301 = vector.shape_cast %reduce_max3A_300 : vector<256xf32> to vector<1x256xf32>
    %get3A_302 = arith.constant 14 : index
    %get3A_303 = arith.constant 0 : index
    %get3A_304 = vector.load %arg8[%get3A_302, %get3A_303] : memref<16x256xf32, #tpu.memory_space<vmem>>, vector<1x256xf32>
    %max3A_305 = arith.maximumf %get3A_304, %broadcast_in_dim3A_301 : vector<1x256xf32>
    %swap3A_306 = arith.constant 14 : index
    %swap3A_307 = arith.constant 0 : index
    %swap3A_308 = vector.load %arg8[%swap3A_306, %swap3A_307] : memref<16x256xf32, #tpu.memory_space<vmem>>, vector<1x256xf32>
    tpu.vector_store %arg8[%swap3A_306, %swap3A_307], %max3A_305 {strides = array<i32>} : memref<16x256xf32, #tpu.memory_space<vmem>>, vector<1x256xf32>,
    %eq3A_309 = arith.constant 15 : i32
    %eq3A_310 = vector.broadcast %eq3A_309 : i32 to vector<512x1xi32>
    %eq3A_311 = arith.cmpi eq, %get3A_18, %eq3A_310 : vector<512x1xi32>
    %jit3A_312 = arith.constant -3.400000e+38 : f32
    %broadcast_in_dim3A_313 = vector.shape_cast %eq3A_311 : vector<512x1xi1> to vector<512x1xi1>
    %broadcast_in_dim3A_314 = vector.broadcast %broadcast_in_dim3A_313 : vector<512x1xi1> to vector<512x256xi1>
    %broadcast_in_dim3A_315 = vector.broadcast %jit3A_312 : f32 to vector<512x256xf32>
    %select_n3A_316 = arith.select %broadcast_in_dim3A_314, %max3A_13, %broadcast_in_dim3A_315 : vector<512x256xi1>, vector<512x256xf32>
    %reduce_max3A_317 = arith.constant dense<0xFF800000> : vector<256xf32>
    %reduce_max3A_318 = vector.multi_reduction <maximumf>, %select_n3A_316, %reduce_max3A_317 [0] : vector<512x256xf32> to vector<256xf32>
    %broadcast_in_dim3A_319 = vector.shape_cast %reduce_max3A_318 : vector<256xf32> to vector<1x256xf32>
    %get3A_320 = arith.constant 15 : index
    %get3A_321 = arith.constant 0 : index
    %get3A_322 = vector.load %arg8[%get3A_320, %get3A_321] : memref<16x256xf32, #tpu.memory_space<vmem>>, vector<1x256xf32>
    %max3A_323 = arith.maximumf %get3A_322, %broadcast_in_dim3A_319 : vector<1x256xf32>
    %swap3A_324 = arith.constant 15 : index
    %swap3A_325 = arith.constant 0 : index
    %swap3A_326 = vector.load %arg8[%swap3A_324, %swap3A_325] : memref<16x256xf32, #tpu.memory_space<vmem>>, vector<1x256xf32>
    tpu.vector_store %arg8[%swap3A_324, %swap3A_325], %max3A_323 {strides = array<i32>} : memref<16x256xf32, #tpu.memory_space<vmem>>, vector<1x256xf32>,
    %eq3A_327 = arith.constant 19 : i32
    %eq3A_328 = arith.cmpi eq, %arg0, %eq3A_327 : i32
    %convert_element_type3A_329 = arith.extui %eq3A_328 : i1 to i32
    %cond3A_330 = arith.constant 0 : i32
    %cond3A_331 = arith.cmpi ne, %convert_element_type3A_329, %cond3A_330 : i32
    scf.if %cond3A_331 {
      %get3A_332 = arith.constant 0 : index
      %get3A_333 = arith.constant 0 : index
      %get3A_334 = vector.load %arg10[%get3A_332, %get3A_333] : memref<16x1xf32, #tpu.memory_space<vmem>>, vector<16x1xf32>
      %gt3A = arith.constant 0.000000e+00 : f32
      %gt3A_335 = vector.broadcast %gt3A : f32 to vector<16x1xf32>
      %gt3A_336 = arith.cmpf ogt, %get3A_334, %gt3A_335 : vector<16x1xf32>
      %get3A_337 = arith.constant 0 : index
      %get3A_338 = arith.constant 0 : index
      %get3A_339 = vector.load %arg8[%get3A_337, %get3A_338] : memref<16x256xf32, #tpu.memory_space<vmem>>, vector<16x256xf32>
      %jit3A_340 = arith.constant 0.000000e+00 : f32
      %broadcast_in_dim3A_341 = vector.shape_cast %gt3A_336 : vector<16x1xi1> to vector<16x1xi1>
      %broadcast_in_dim3A_342 = vector.broadcast %broadcast_in_dim3A_341 : vector<16x1xi1> to vector<16x256xi1>
      %broadcast_in_dim3A_343 = vector.broadcast %jit3A_340 : f32 to vector<16x256xf32>
      %select_n3A_344 = arith.select %broadcast_in_dim3A_342, %get3A_339, %broadcast_in_dim3A_343 : vector<16x256xi1>, vector<16x256xf32>
      %get3A_345 = arith.constant 0 : index
      %get3A_346 = arith.constant 0 : index
      %get3A_347 = vector.load %arg9[%get3A_345, %get3A_346] : memref<16x256xf32, #tpu.memory_space<vmem>>, vector<16x256xf32>
      %max3A_348 = arith.constant 1.000000e+00 : f32
      %max3A_349 = vector.broadcast %max3A_348 : f32 to vector<16x1xf32>
      %max3A_350 = arith.maximumf %get3A_334, %max3A_349 : vector<16x1xf32>
      %div3A = vector.broadcast %max3A_350 : vector<16x1xf32> to vector<16x256xf32>
      %div3A_351 = arith.divf %get3A_347, %div3A : vector<16x256xf32>
      %concatenate3A = tpu.concatenate %select_n3A_344, %div3A_351 in 1 : vector<16x256xf32>, vector<16x256xf32> -> vector<16x512xf32>
      %get3A_352 = arith.constant 0 : index
      %get3A_353 = arith.constant 0 : index
      %get3A_354 = vector.load %arg5[%get3A_352, %get3A_353] : memref<512x40xf32, #tpu.memory_space<vmem>>, vector<512x40xf32>
      %dot_general3A_355 = arith.constant dense<0.000000e+00> : vector<16x40xf32>
      %dot_general3A_356 = tpu.matmul %concatenate3A, %get3A_354, %dot_general3A_355 {dimension_numbers = #tpu.dot_dimension_numbers<[1], [0], [0], [1], [0, 0, 1, 1], [], []>, transpose_lhs_hint = false} : vector<16x512xf32>, vector<512x40xf32>, vector<16x40xf32> -> vector<16x40xf32>
      %get3A_357 = arith.constant 0 : index
      %get3A_358 = arith.constant 0 : index
      %get3A_359 = vector.load %arg6[%get3A_357, %get3A_358] : memref<1x40xf32, #tpu.memory_space<vmem>>, vector<1x40xf32>
      %add3A_360 = vector.broadcast %get3A_359 : vector<1x40xf32> to vector<16x40xf32>
      %add3A_361 = arith.addf %dot_general3A_356, %add3A_360 : vector<16x40xf32>
      %swap3A_362 = arith.constant 0 : index
      %swap3A_363 = arith.constant 0 : index
      %swap3A_364 = vector.load %arg7[%swap3A_362, %swap3A_363] : memref<16x40xf32, #tpu.memory_space<vmem>>, vector<16x40xf32>
      tpu.vector_store %arg7[%swap3A_362, %swap3A_363], %add3A_361 {strides = array<i32>} : memref<16x40xf32, #tpu.memory_space<vmem>>, vector<16x40xf32>,
    } else {
    }
    return
  }
  func.func @transform_0(%arg0: i32) -> (i32, i32, i32) {
    %c0_i32 = arith.constant 0 : i32
    %c0_i32_0 = arith.constant 0 : i32
    %c0_i32_1 = arith.constant 0 : i32
    return %arg0, %c0_i32, %c0_i32_0 : i32, i32, i32
  }
  func.func @transform_1(%arg0: i32) -> (i32, i32) {
    %c0_i32 = arith.constant 0 : i32
    %c0_i32_0 = arith.constant 0 : i32
    return %arg0, %c0_i32 : i32, i32
  }
  func.func @transform_2(%arg0: i32) -> (i32, i32) {
    %c0_i32 = arith.constant 0 : i32
    %c0_i32_0 = arith.constant 0 : i32
    %c0_i32_1 = arith.constant 0 : i32
    return %c0_i32, %c0_i32_0 : i32, i32
  }
  func.func @transform_3(%arg0: i32) -> (i32, i32) {
    %c0_i32 = arith.constant 0 : i32
    %c0_i32_0 = arith.constant 0 : i32
    %c0_i32_1 = arith.constant 0 : i32
    return %c0_i32, %c0_i32_0 : i32, i32
  }
  func.func @transform_4(%arg0: i32) -> (i32, i32) {
    %c0_i32 = arith.constant 0 : i32
    %c0_i32_0 = arith.constant 0 : i32
    %c0_i32_1 = arith.constant 0 : i32
    return %c0_i32, %c0_i32_0 : i32, i32
  }
  func.func @transform_5(%arg0: i32) -> (i32, i32) {
    %c0_i32 = arith.constant 0 : i32
    %c0_i32_0 = arith.constant 0 : i32
    %c0_i32_1 = arith.constant 0 : i32
    return %c0_i32, %c0_i32_0 : i32, i32
  }
  func.func @transform_6(%arg0: i32) -> (i32, i32) {
    %c0_i32 = arith.constant 0 : i32
    %c0_i32_0 = arith.constant 0 : i32
    %c0_i32_1 = arith.constant 0 : i32
    return %c0_i32, %c0_i32_0 : i32, i32
  }
}

</mosaic_0001>

<sc_bundles>
// kernel: kernel.7.cloned.1.call-start
scs
__scs_entry_jumppad:
0x0: {  	(pc) =	sbr.rel $0x88, $3  }
0x1: {  	(tag) =	ssettag $0x0;
	lr =	simm.s32 $0x1  }
0x2: {  	[smem:$0x3F97] =	sst lr;
	_ =	strace $0xD0000000  }
0x3: {  	_ = 	snop  }
0x4: {  	_ = 	snop  }
0x5: {  	_ = 	snop  }
0x6: {  	_ = 	snop  }
0x7: {  	_ = 	snop  }
__scs_overlays_trampoline_lowered:
0x8: {  	[smem:$0x3FA6] =	sst s0  }
0x9: {  	[smem:$0x3FA7] =	sst s1  }
0xa: {  	[smem:$0x3FA8] =	sst s2  }
0xb: {  	[smem:$0x3FA9] =	sst s3  }
0xc: {  	[smem:$0x3FAA] =	sst s4  }
0xd: {  	[smem:$0x3FAB] =	sst s5  }
0xe: {  	[smem:$0x3FAC] =	sst s6  }
0xf: {  	[smem:$0x3FAD] =	sst s7  }
0x10: {  	[smem:$0x3FAE] =	sst s8  }
0x11: {  	[smem:$0x3FAF] =	sst s9;
	s0 =	simm.s32 @!p0 $0x0  }
0x12: {  	s1 =	sld [smem:$0x3F95];
	s0 =	simm.s32 @p0 $0x1  }
0x13: {  	[smem:$0x3FB0] =	sst s0;
	s0 =	simm.s32 @!p1 $0x0  }
0x14: {  	s2 =	sld [smem:$0x3F94];
	s0 =	simm.s32 @p1 $0x1  }
0x15: {  	[smem:$0x3FB1] =	sst s0;
	s0 =	simm.s32 @!p2 $0x0  }
0x16: {  	s3 =	sld [smem:$0x3FDB];
	s0 =	simm.s32 @p2 $0x1  }
0x17: {  	s4 =	simm.s32 $0x1BF5;
	[smem:$0x3FB3] =	sst s0  }
0x18: {  	s0 =	sld [smem:$0x3F96];
	_ =	swait.ge [sflag:s4], $0x0  }
0x19: {  	s7 =	sld [smem:$0x3F97]  }
0x1a: {  	s8 =	sadd.s32 $0xFFFFE003, lr  }
0x1b: {  	s9 =	sadd.s32 $0xFFFFFEF7, lr;
	s5 =	simm.s32 $0xFFFFFFFF;
	p2 =	slt.u32 s8, $0xFFFFF086  }
0x1c: {  	p1 =	slt.u32 s9, $0xF7A;
	s5 =	simm.s32 @!p2 $0x0  }
0x1d: {  	s5 =	simm.s32 @p1 $0x1;
	p0 =	seq.s32 s7, s2  }
0x1e: {  	s7 =	smul.u32 @!p0 $0xF7A, s2;
	p2 =	seq.s32 @!p0 s5, $0x0  }
0x1f: {  	s9 =	smul.u32 $0xF7A, s1;
	s8 =	simm.s32 @!p0 $0x1BF5;
	p2 =	por !p2, p0  }
0x20: {  	[sflag:s8] =	ssyncset.s32 @!p0 $0xFFFFF086;
	s6 =	sadd.s32 @!p0 s3, s7;
	s7 =	simm.s32 @!p0 $0x108  }
0x21: {  	s3 =	sadd.s32 s3, s9;
	s6 =	sadd.s32 @!p0 $0x88, s6;
	s7 =	simm.s32 @p2 $0x1082  }
0x22: {  	[simem:s7], [sflag:s8] =	dma.local @!p0 [hbm:s6], $0xF7A  }
0x23: {  	s9 =	sor.u32 $0xD0000000, s2;
	s6 =	simm.s32 $0x108;
	_ =	swait.ge @!p0 [sflag:s8], $0x0  }
0x24: {  	s3 =	sadd.s32 $0x88, s3;
	s6 =	simm.s32 @!p1 $0x1082;
	[sflag:s4] =	ssyncset.s32 $0xFFFFF086  }
0x25: {  	[simem:s6], [sflag:s4] =	dma.local [hbm:s3], $0xF7A  }
0x26: {  	[smem:$0x3F97] =	sst s1;
	(tag) =	ssettag s2;
	_ =	strace s9  }
0x27: {  	s1 =	sld [smem:$0x3FA7]  }
0x28: {  	s2 =	sld [smem:$0x3FA8]  }
0x29: {  	s4 =	sld [smem:$0x3FAA]  }
0x2a: {  	p0 =	seq.s32 s5, $0x0;
	s5 =	sld [smem:$0x3FAB]  }
0x2b: {  	s6 =	sld [smem:$0x3FAC]  }
0x2c: {  	s7 =	sld [smem:$0x3FAD]  }
0x2d: {  	s3 =	simm.s32 $0x108;
	s8 =	sld [smem:$0x3FAE]  }
0x2e: {  	s3 =	simm.s32 @!p0 $0x1082;
	s9 =	sld [smem:$0x3FAF]  }
0x2f: {  	lr =	sadd.s32 s0, s3;
	s0 =	sld [smem:$0x3FA6]  }
0x30: {  	s3 =	sld [smem:$0x3FA9]  }
0x31: {  	[smem:$0x3FB2] =	sst s10  }
0x32: {  	s10 =	sld [smem:$0x3FB0];
	_ =	sdelay $0x3  }
0x33: {  	p0 =	seq.s32 s10, $0x1;
	s10 =	sld [smem:$0x3FB2];
	_ =	sdelay $0x3  }
0x34: {  	[smem:$0x3FB2] =	sst s10  }
0x35: {  	s10 =	sld [smem:$0x3FB1];
	_ =	sdelay $0x3  }
0x36: {  	p1 =	seq.s32 s10, $0x1;
	s10 =	sld [smem:$0x3FB2];
	_ =	sdelay $0x3  }
0x37: {  	[smem:$0x3FB2] =	sst s10  }
0x38: {  	s10 =	sld [smem:$0x3FB3]  }
0x39: {  	_ = 	snop;
	(pc) =	sbr.ind lr, $3  }
0x3a: {  	_ = 	snop  }
0x3b: {  	_ = 	snop  }
0x3c: {  	p2 =	seq.s32 s10, $0x1;
	s10 =	sld [smem:$0x3FB2]  }
0x3d: {  	_ =	shalt  }
0x3e: {  	_ =	shalt  }
0x3f: {  	_ =	shalt  }
0x40: {  	_ =	shalt  }
0x41: {  	_ =	shalt  }
0x42: {  	_ =	shalt  }
0x43: {  	_ =	shalt  }
0x44: {  	_ =	shalt  }
0x45: {  	_ =	shalt  }
0x46: {  	_ =	shalt  }
0x47: {  	_ =	shalt  }
0x48: {  	_ =	shalt  }
0x49: {  	_ =	shalt  }
0x4a: {  	_ =	shalt  }
0x4b: {  	_ =	shalt  }
0x4c: {  	_ =	shalt  }
0x4d: {  	_ =	shalt  }
0x4e: {  	_ =	shalt  }
0x4f: {  	_ =	shalt  }
0x50: {  	_ =	shalt  }
0x51: {  	_ =	shalt  }
0x52: {  	_ =	shalt  }
0x53: {  	_ =	shalt  }
0x54: {  	_ =	shalt  }
0x55: {  	_ =	shalt  }
0x56: {  	_ =	shalt  }
0x57: {  	_ =	shalt  }
0x58: {  	_ =	shalt  }
0x59: {  	_ =	shalt  }
0x5a: {  	_ =	shalt  }
0x5b: {  	_ =	shalt  }
0x5c: {  	_ =	shalt  }
0x5d: {  	_ =	shalt  }
0x5e: {  	_ =	shalt  }
0x5f: {  	_ =	shalt  }
0x60: {  	_ =	shalt  }
0x61: {  	_ =	shalt  }
0x62: {  	_ =	shalt  }
0x63: {  	_ =	shalt  }
0x64: {  	_ =	shalt  }
0x65: {  	_ =	shalt  }
0x66: {  	_ =	shalt  }
0x67: {  	_ =	shalt  }
0x68: {  	_ =	shalt  }
0x69: {  	_ =	shalt  }
0x6a: {  	_ =	shalt  }
0x6b: {  	_ =	shalt  }
0x6c: {  	_ =	shalt  }
0x6d: {  	_ =	shalt  }
0x6e: {  	_ =	shalt  }
0x6f: {  	_ =	shalt  }
0x70: {  	_ =	shalt  }
0x71: {  	_ =	shalt  }
0x72: {  	_ =	shalt  }
0x73: {  	_ =	shalt  }
0x74: {  	_ =	shalt  }
0x75: {  	_ =	shalt  }
0x76: {  	_ =	shalt  }
0x77: {  	_ =	shalt  }
0x78: {  	_ =	shalt  }
0x79: {  	_ =	shalt  }
0x7a: {  	_ =	shalt  }
0x7b: {  	_ =	shalt  }
0x7c: {  	_ =	shalt  }
0x7d: {  	_ =	shalt  }
0x7e: {  	_ =	shalt  }
0x7f: {  	_ =	shalt  }
0x80: {  	_ =	shalt  }
0x81: {  	_ =	shalt  }
0x82: {  	_ =	shalt  }
0x83: {  	_ =	shalt  }
0x84: {  	_ =	shalt  }
0x85: {  	_ =	shalt  }
0x86: {  	_ =	shalt  }
0x87: {  	_ =	shalt  }
.Lfunc_end0:
.L_simem_size_0:
called_computation_lowered:
.L_overlay_start_0:
0x88: {  	s2 =	sld [smem:$0x3FD9]  }
0x89: {  	s3 =	sld [smem:$0x3FFE];
	_ =	sdelay $0x1  }
0x8a: {  	s1 =	srdreg.scid  }
0x8b: {  	s0 =	sand.u32 $0x1, s1  }
0x8c: {  	s16 =	sshll.u32 s0, $0xA;
	s2 =	sadd.s32 s3, s2  }
0x8d: {  	s2 =	sadd.s32 s2, s16  }
0x8e: {  	[smem:$0x3FBE] =	sst s2  }
0x8f: {  	_ = 	snop  }
0x90: {  	(tm) =	ssettm $0x1  }
0x91: {  	s17 =	sld [smem:$0x3FFB];
	_ =	sdelay $0x3  }
0x92: {  	_ =	strace s17  }
0x93: {  	s2 =	sld [smem:$0x3FFC];
	_ =	sdelay $0x3  }
0x94: {  	_ =	strace s2  }
0x95: {  	s2 =	sld [smem:$0x3FFD];
	_ =	sdelay $0x3  }
0x96: {  	_ =	strace s2  }
0x97: {  	_ =	strace $0x8FFFFFFF  }
0x98: {  	s18 =	sld [smem:$0x3FDB];
	_ =	sdelay $0x1  }
0x99: {  	s19 =	simm.s32 $_scs_section_size  }
0x9a: {  	s4 =	simm.s32 $_size__tile_overlayer_lowered;
	s5 =	simm.s32 $_tile_overlayer_lowered  }
0x9b: {  	s22 =	simm.s32 $0x1BFF;
	s21 =	sshll.u32 s5, $0x1;
	s2 =	sadd.s32 s19, s18  }
0x9c: {  	s6 =	simm.s32 $0x0;
	s20 =	sshll.u32 s4, $0x1;
	s4 =	sadd.s32 s21, s2  }
0x9d: {  	[timem:s6], [sflag:s22] =	dma.local [hbm:s4], s20  }
0x9e: {  	_ =	swait.ge [sflag:s22], s20  }
0x9f: {  	s3 =	ssub.s32 $0x0, s20;
	[sflag:s22] =	ssyncset.done $0x0  }
0xa0: {  	[sflag:s22] =	ssyncadd.s32 s3;
	_ =	sdelay $0x1  }
0xa1: {  	s23 =	simm.s32 $0x1B8B  }
0xa2: {  	_ =	swait.ge [sflag:s23], $0x1  }
0xa3: {  	[sflag:s23] =	ssyncset.done $0x0  }
0xa4: {  	s25 =	simm.s32 $0x1B8E;
	s24 =	sld [smem:$0x3FFE];
	[sflag:s23] =	ssyncadd.s32 $0xFFFFFFFF  }
0xa5: {  	s26 =	simm.s32 $execute0_lowered;
	[smem:$0x3FD2] =	sst s25  }
0xa6: {  	s4 =	sshll.u32 s26, $0x1;
	_ =	strace $0x80000046;
	[dreg:$0x1] =	wrdreg $0xFFFFFFFF  }
0xa7: {  	s28 =	simm.s32 $_size_execute0_lowered;
	s2 =	sadd.s32 s2, s4;
	[dreg:$0x0] =	wrdreg $0x0  }
0xa8: {  	s4 =	sshll.u32 s28, $0x1;
	[dreg:$0x2] =	wrdreg s2  }
0xa9: {  	[dreg:$0x3] =	wrdreg s4  }
0xaa: {  	[dreg:$0x4] =	wrdreg $0xC0  }
0xab: {  	_ =	task [dreg:s6], $0x5FFFF  }
0xac: {  	[dreg:$0x1] =	wrdreg $0xFFFFFFFF  }
0xad: {  	[dreg:$0x0] =	wrdreg $0x60  }
0xae: {  	[dreg:$0x2] =	wrdreg s24  }
0xaf: {  	[dreg:$0x3] =	wrdreg $0x8B000  }
0xb0: {  	[dreg:$0x4] =	wrdreg $0x9  }
0xb1: {  	_ =	task.clear_ibuf [dreg:s6], $0x5FFFF;
	_ =	strace $0x90000046  }
0xb2: {  	s29 =	simm.s32 $0x9;
	_ =	strace $0x80000048  }
0xb3: {  	_ =	swait.ge [sflag:s29], $0x1  }
0xb4: {  	[sflag:s29] =	ssyncadd.s32 $0xFFFFFFFF  }
0xb5: {  	_ =	strace $0x90000048  }
0xb6: {  	_ =	sfence  }
0xb7: {  	s30 =	sld [smem:$0x0];
	_ =	sdelay $0x2  }
0xb8: {  	s31 =	sshll.u32 s1, $0xD;
	s1 =	sshrl.u32 s1, $0x2  }
0xb9: {  	s3 =	sand.u32 $0x4000, s31;
	s1 =	sadd.s32 s1, s30  }
0xba: {  	s0 =	sor.u32 s3, s0;
	s1 =	sshll.u32 s1, $0x11  }
0xbb: {  	s0 =	sor.u32 s1, s0  }
0xbc: {  	s0 =	sadd.s32 $0x8F2B, s0  }
0xbd: {  	[sflag:s0] =	ssyncadd.remote.s32 $0x1  }
0xbe: {  	_ =	sfence.sel $0xFFFF  }
0xbf: {  	[dreg:$0x0] =	wrdreg $0xFFFFFFFF;
	(pc) =	sbr.abs _section_cstart, $3  }
0xc0: {  	[dreg:$0x1] =	wrdreg $0xFFFFFFFF  }
0xc1: {  	_ =	task.clear_ibuf [dreg:s6], $0x2FFFF;
	_ =	strace $0x9FFFFFFF  }
0xc2: {  	(tm) =	ssettm $0x7FFFFFFF  }
0xc3: {  	_ =	shalt  }
tec
execute0_lowered:
.L_overlay_start_1:
0x0: {  	(tag) =	ssettag $0x1  }
0x1: {  	s0 =	rddreg [dreg:$0x0]  }
0x2: {  	s1 =	rddreg [dreg:$0x1];
	s3 =	stileid.u32  }
0x3: {  	s4 =	simm.s32 $0x0;
	s2 =	srdreg.scid;
	s5 =	smul.u32 $0x4E2, s3  }
0x4: {  	[smem:$0x7FF] =	sst s4;
	s4 =	sand.u32 $0x1, s2;
	s8 =	smul.u32 $0x50000, s3  }
0x5: {  	s12 =	sadd.s32 $0x140000, s1;
	_ =	strace $0x80000047;
	s2 =	ssub.s32 $0x2, s4  }
0x6: {  	[dreg:$0x5] =	wrdreg s12;
	s7 =	sadd.s32 s5, s0;
	s6 =	sshrl.u32 s2, $0x1  }
0x7: {  	s5 =	sadd.s32 $0xBA00, s0;
	s11 =	sshrl.u32 s8, $0x2;
	s9 =	sadd.s32 $0x6A00, s7  }
0x8: {  	s26 =	ssub.s32 s2, s6;
	s10 =	sadd.s32 $0x1A00, s7;
	[dreg:$0x3] =	wrdreg s9  }
0x9: {  	[dreg:$0x4] =	wrdreg s10;
	s9 =	sadd.s32 s11, s1;
	s0 =	smax.u32 s26, $0x1  }
0xa: {  	p0 =	sne.s32 s3, $0x0;
	[dreg:$0x6] =	wrdreg s0;
	s14 =	sadd.s32 $0x1000, s9  }
0xb: {  	s12 =	simm.s32 $0x80;
	s15 =	sadd.s32 $0x2000, s9;
	[dreg:$0x7] =	wrdreg s14  }
0xc: {  	s8 =	simm.s32 $0x100;
	s16 =	sadd.s32 $0x3000, s9;
	[dreg:$0x8] =	wrdreg s15  }
0xd: {  	s6 =	smul.u32 $0x14000, s3;
	s17 =	sadd.s32 $0x4000, s9;
	[dreg:$0x9] =	wrdreg s16  }
0xe: {  	s2 =	simm.s32 $0x1;
	s18 =	sadd.s32 $0x5000, s9;
	[dreg:$0xa] =	wrdreg s17  }
0xf: {  	s7 =	simm.s32 $0x7980;
	s19 =	sadd.s32 $0x6000, s9;
	[dreg:$0xb] =	wrdreg s18  }
0x10: {  	s10 =	simm.s32 $0x7680;
	s20 =	sadd.s32 $0x7000, s9;
	[dreg:$0xc] =	wrdreg s19  }
0x11: {  	s11 =	simm.s32 $0x7780;
	s21 =	sadd.s32 $0x8000, s9;
	[dreg:$0xd] =	wrdreg s20  }
0x12: {  	s13 =	sadd.s32 s6, s1;
	s22 =	sadd.s32 $0x9000, s9;
	[dreg:$0xe] =	wrdreg s21  }
0x13: {  	s23 =	sadd.s32 $0xA000, s9;
	s24 =	sadd.s32 $0xB000, s9;
	[dreg:$0xf] =	wrdreg s22  }
0x14: {  	s25 =	sadd.s32 $0xC000, s9;
	s26 =	sadd.s32 $0xD000, s9;
	[dreg:$0x10] =	wrdreg s23  }
.Ltmp0:
0x15: {  	s28 =	sadd.s32 $0xF000, s9;
	[dreg:$0x11] =	wrdreg s24;
	(pc) =	sbr.rel .LBB2_1-.Ltmp0, $4  }
0x16: {  	s29 =	sadd.s32 $0x10000, s9;
	s30 =	sadd.s32 $0x11000, s9;
	[dreg:$0x12] =	wrdreg s25  }
0x17: {  	s31 =	sadd.s32 $0x12000, s9;
	s0 =	sadd.s32 $0x13000, s9;
	[dreg:$0x13] =	wrdreg s26  }
0x18: {  	v0 =	vimm.f32 $1.000000000e+00;
	v1 =	vimm.f32 $-1.000000000e+00;
	v2 =	vlaneseq.u32;
	s25 =	sshrl.u32 s13, $0x3;
	s26 =	sadd.s32 $0xE000, s9;
	s13 =	simm.s32 $0x8980  }
0x19: {  	v3 =	vimm.f32 $0.0e+00;
	v4 =	vor.u32 $0x140000, v2;
	v5 =	vmul.u32 $0x2800, v2;
	s14 =	simm.s32 $0x8A00;
	s15 =	simm.s32 $0x7880;
	s16 =	simm.s32 $0x0  }
.LBB2_24:
0x1a: {  	s16 =	sadd.s32 $0x1, s16;
	s17 =	rddreg [dreg:$0x6]  }
0x1b: {  	p1 =	sne.s32 s16, s17  }
.Ltmp1:
0x1c: {  	_ = 	snop;
	(pc) =	sbr.rel @!p1 .LBB2_25-.Ltmp1, $1  }
0x1d: {  	_ =	sdelay $0x3  }
.LBB2_1:
0x1e: {  	s17 =	simm.s32 $0x0;
	s18 =	rddreg [dreg:$0x3]  }
0x1f: {  	[tilespmem:s17], [sflag:$0x1] =	stream.linear.gather [hbm4b:s18+s17], $0x2710, $0x38;
	[tilespmem:$0x1CB08] =	vst v63  }
0x20: {  	_ =	swait.ge [sflag:s2], $0x2710  }
0x21: {  	[sflag:s2] =	ssyncset.done $0x0  }
0x22: {  	s19 =	simm.s32 $0x2780;
	s24 =	rddreg [dreg:$0x4];
	[sflag:s2] =	ssyncadd.s32 $0xFFFFD8F0  }
0x23: {  	[tilespmem:s19], [sflag:$0x1] =	stream.linear.gather [hbm4b:s24+s17], $0x2710, $0x38;
	[tilespmem:$0x1CB08] =	vst v63  }
0x24: {  	_ =	swait.ge [sflag:s2], $0x2710  }
0x25: {  	[sflag:s2] =	ssyncset.done $0x0  }
0x26: {  	[sflag:s2] =	ssyncadd.s32 $0xFFFFD8F0  }
0x27: {  	[tilespmem:$0x7780] =	vst v0  }
0x28: {  	[tilespmem:$0x7880] =	vst v1  }
0x29: {  	[tilespmem:$0x7790] =	vst v0  }
0x2a: {  	[tilespmem:$0x7890] =	vst v1  }
0x2b: {  	[tilespmem:$0x77A0] =	vst v0  }
0x2c: {  	[tilespmem:$0x78A0] =	vst v1  }
0x2d: {  	[tilespmem:$0x77B0] =	vst v0  }
0x2e: {  	[tilespmem:$0x78B0] =	vst v1  }
0x2f: {  	[tilespmem:$0x77C0] =	vst v0  }
0x30: {  	[tilespmem:$0x78C0] =	vst v1  }
0x31: {  	[tilespmem:$0x77D0] =	vst v0  }
0x32: {  	[tilespmem:$0x78D0] =	vst v1  }
0x33: {  	[tilespmem:$0x77E0] =	vst v0  }
0x34: {  	[tilespmem:$0x78E0] =	vst v1  }
0x35: {  	[tilespmem:$0x77F0] =	vst v0  }
0x36: {  	[tilespmem:$0x78F0] =	vst v1  }
0x37: {  	[tilespmem:$0x7800] =	vst v0  }
0x38: {  	[tilespmem:$0x7900] =	vst v1  }
0x39: {  	[tilespmem:$0x7810] =	vst v0  }
0x3a: {  	[tilespmem:$0x7910] =	vst v1  }
0x3b: {  	[tilespmem:$0x7820] =	vst v0  }
0x3c: {  	[tilespmem:$0x7920] =	vst v1  }
0x3d: {  	[tilespmem:$0x7830] =	vst v0  }
0x3e: {  	[tilespmem:$0x7930] =	vst v1  }
0x3f: {  	[tilespmem:$0x7840] =	vst v0  }
0x40: {  	[tilespmem:$0x7940] =	vst v1  }
0x41: {  	[tilespmem:$0x7850] =	vst v0  }
0x42: {  	[tilespmem:$0x7950] =	vst v1  }
0x43: {  	[tilespmem:$0x7860] =	vst v0  }
0x44: {  	[tilespmem:$0x7960] =	vst v1  }
0x45: {  	[tilespmem:$0x7870] =	vst v0  }
0x46: {  	s18 =	simm.s32 $0x0;
	s17 =	simm.s32 $0x40;
	[tilespmem:$0x7970] =	vst v1  }
.LBB2_2:
0x47: {  	p1 =	sne.s32 s17, $0x3FC0;
	[tilespmem:s18+$0x7980] =	vst v3;
	s18 =	smov.u32 s17;
	s17 =	sadd.s32 $0x40, s17  }
.Ltmp2:
0x48: {  	(pc) =	sbr.rel @p1 .LBB2_2-.Ltmp2, $2  }
0x49: {  	_ =	sdelay $0x2  }
0x4a: {  	s18 =	sshra.s32 s18, $0x2  }
0x4b: {  	[tilespmem:s18+$0x7980] =	vst v3  }
0x4c: {  	[tilespmem:$0x8A00] =	vst v0  }
0x4d: {  	[tilespmem:$0x8A80] =	vst v1  }
0x4e: {  	[tilespmem:$0x8A10] =	vst v0  }
0x4f: {  	[tilespmem:$0x8A90] =	vst v1  }
0x50: {  	[tilespmem:$0x8A20] =	vst v0  }
0x51: {  	[tilespmem:$0x8AA0] =	vst v1  }
0x52: {  	[tilespmem:$0x8A30] =	vst v0  }
0x53: {  	[tilespmem:$0x8AB0] =	vst v1  }
0x54: {  	[tilespmem:$0x8A40] =	vst v0  }
0x55: {  	[tilespmem:$0x8AC0] =	vst v1  }
0x56: {  	[tilespmem:$0x8A50] =	vst v0  }
0x57: {  	[tilespmem:$0x8AD0] =	vst v1  }
0x58: {  	[tilespmem:$0x8A60] =	vst v0  }
0x59: {  	[tilespmem:$0x8AE0] =	vst v1  }
0x5a: {  	[tilespmem:$0x8A70] =	vst v0  }
0x5b: {  	s17 =	simm.s32 $0x40;
	s18 =	simm.s32 $0x0;
	[tilespmem:$0x8AF0] =	vst v1  }
.LBB2_4:
0x5c: {  	p1 =	sne.s32 s17, $0x9C40;
	[tilespmem:s18+$0x4F00] =	vst v4;
	s18 =	smov.u32 s17;
	s17 =	sadd.s32 $0x40, s17  }
.Ltmp3:
0x5d: {  	(pc) =	sbr.rel @p1 .LBB2_4-.Ltmp3, $2  }
0x5e: {  	_ =	sdelay $0x2  }
0x5f: {  	s18 =	sshra.s32 s18, $0x2  }
0x60: {  	[tilespmem:s18+$0x4F00] =	vst v4  }
0x61: {  	[spmem:s9] =	stream.linear.scatter [tilespmem:s7], [sflag:$0x1], $0x1000, $0x38;
	[tilespmem:$0x1CB08] =	vst v63  }
0x62: {  	_ =	swait.ge [sflag:s2], $0x1000  }
0x63: {  	[sflag:s2] =	ssyncset.done $0x0  }
0x64: {  	s17 =	rddreg [dreg:$0x7];
	[sflag:s2] =	ssyncadd.s32 $0xFFFFF000  }
0x65: {  	[spmem:s17] =	stream.linear.scatter [tilespmem:s7], [sflag:$0x1], $0x1000, $0x38;
	[tilespmem:$0x1CB08] =	vst v63  }
0x66: {  	_ =	swait.ge [sflag:s2], $0x1000  }
0x67: {  	[sflag:s2] =	ssyncset.done $0x0  }
0x68: {  	s20 =	rddreg [dreg:$0x8];
	[sflag:s2] =	ssyncadd.s32 $0xFFFFF000  }
0x69: {  	[spmem:s20] =	stream.linear.scatter [tilespmem:s7], [sflag:$0x1], $0x1000, $0x38;
	[tilespmem:$0x1CB08] =	vst v63  }
0x6a: {  	_ =	swait.ge [sflag:s2], $0x1000  }
0x6b: {  	[sflag:s2] =	ssyncset.done $0x0  }
0x6c: {  	s21 =	rddreg [dreg:$0x9];
	[sflag:s2] =	ssyncadd.s32 $0xFFFFF000  }
0x6d: {  	[spmem:s21] =	stream.linear.scatter [tilespmem:s7], [sflag:$0x1], $0x1000, $0x38;
	[tilespmem:$0x1CB08] =	vst v63  }
0x6e: {  	_ =	swait.ge [sflag:s2], $0x1000  }
0x6f: {  	[sflag:s2] =	ssyncset.done $0x0  }
0x70: {  	s22 =	rddreg [dreg:$0xa];
	[sflag:s2] =	ssyncadd.s32 $0xFFFFF000  }
0x71: {  	[spmem:s22] =	stream.linear.scatter [tilespmem:s7], [sflag:$0x1], $0x1000, $0x38;
	[tilespmem:$0x1CB08] =	vst v63  }
0x72: {  	_ =	swait.ge [sflag:s2], $0x1000  }
0x73: {  	[sflag:s2] =	ssyncset.done $0x0  }
0x74: {  	s23 =	rddreg [dreg:$0xb];
	[sflag:s2] =	ssyncadd.s32 $0xFFFFF000  }
0x75: {  	[spmem:s23] =	stream.linear.scatter [tilespmem:s7], [sflag:$0x1], $0x1000, $0x38;
	[tilespmem:$0x1CB08] =	vst v63  }
0x76: {  	_ =	swait.ge [sflag:s2], $0x1000  }
0x77: {  	[sflag:s2] =	ssyncset.done $0x0  }
0x78: {  	s24 =	rddreg [dreg:$0xc];
	[sflag:s2] =	ssyncadd.s32 $0xFFFFF000  }
0x79: {  	[spmem:s24] =	stream.linear.scatter [tilespmem:s7], [sflag:$0x1], $0x1000, $0x38;
	[tilespmem:$0x1CB08] =	vst v63  }
0x7a: {  	_ =	swait.ge [sflag:s2], $0x1000  }
0x7b: {  	[sflag:s2] =	ssyncset.done $0x0  }
0x7c: {  	s18 =	rddreg [dreg:$0xd];
	[sflag:s2] =	ssyncadd.s32 $0xFFFFF000  }
0x7d: {  	[spmem:s18] =	stream.linear.scatter [tilespmem:s7], [sflag:$0x1], $0x1000, $0x38;
	[tilespmem:$0x1CB08] =	vst v63  }
0x7e: {  	_ =	swait.ge [sflag:s2], $0x1000  }
0x7f: {  	[sflag:s2] =	ssyncset.done $0x0  }
0x80: {  	s19 =	rddreg [dreg:$0xe];
	[sflag:s2] =	ssyncadd.s32 $0xFFFFF000  }
0x81: {  	[spmem:s19] =	stream.linear.scatter [tilespmem:s7], [sflag:$0x1], $0x1000, $0x38;
	[tilespmem:$0x1CB08] =	vst v63  }
0x82: {  	_ =	swait.ge [sflag:s2], $0x1000  }
0x83: {  	[sflag:s2] =	ssyncset.done $0x0  }
0x84: {  	s20 =	rddreg [dreg:$0xf];
	[sflag:s2] =	ssyncadd.s32 $0xFFFFF000  }
0x85: {  	[spmem:s20] =	stream.linear.scatter [tilespmem:s7], [sflag:$0x1], $0x1000, $0x38;
	[tilespmem:$0x1CB08] =	vst v63  }
0x86: {  	_ =	swait.ge [sflag:s2], $0x1000  }
0x87: {  	[sflag:s2] =	ssyncset.done $0x0  }
0x88: {  	s21 =	rddreg [dreg:$0x10];
	[sflag:s2] =	ssyncadd.s32 $0xFFFFF000  }
0x89: {  	[spmem:s21] =	stream.linear.scatter [tilespmem:s7], [sflag:$0x1], $0x1000, $0x38;
	[tilespmem:$0x1CB08] =	vst v63  }
0x8a: {  	_ =	swait.ge [sflag:s2], $0x1000  }
0x8b: {  	[sflag:s2] =	ssyncset.done $0x0  }
0x8c: {  	s22 =	rddreg [dreg:$0x11];
	[sflag:s2] =	ssyncadd.s32 $0xFFFFF000  }
0x8d: {  	[spmem:s22] =	stream.linear.scatter [tilespmem:s7], [sflag:$0x1], $0x1000, $0x38;
	[tilespmem:$0x1CB08] =	vst v63  }
0x8e: {  	_ =	swait.ge [sflag:s2], $0x1000  }
0x8f: {  	[sflag:s2] =	ssyncset.done $0x0  }
0x90: {  	s23 =	rddreg [dreg:$0x12];
	[sflag:s2] =	ssyncadd.s32 $0xFFFFF000  }
0x91: {  	[spmem:s23] =	stream.linear.scatter [tilespmem:s7], [sflag:$0x1], $0x1000, $0x38;
	[tilespmem:$0x1CB08] =	vst v63  }
0x92: {  	_ =	swait.ge [sflag:s2], $0x1000  }
0x93: {  	[sflag:s2] =	ssyncset.done $0x0  }
0x94: {  	s24 =	rddreg [dreg:$0x13];
	[sflag:s2] =	ssyncadd.s32 $0xFFFFF000  }
0x95: {  	[spmem:s24] =	stream.linear.scatter [tilespmem:s7], [sflag:$0x1], $0x1000, $0x38;
	[tilespmem:$0x1CB08] =	vst v63  }
0x96: {  	_ =	swait.ge [sflag:s2], $0x1000  }
0x97: {  	[sflag:s2] =	ssyncset.done $0x0  }
0x98: {  	[sflag:s2] =	ssyncadd.s32 $0xFFFFF000  }
0x99: {  	[spmem:s26] =	stream.linear.scatter [tilespmem:s7], [sflag:$0x1], $0x1000, $0x38;
	[tilespmem:$0x1CB08] =	vst v63  }
0x9a: {  	_ =	swait.ge [sflag:s2], $0x1000  }
0x9b: {  	[sflag:s2] =	ssyncset.done $0x0  }
0x9c: {  	[sflag:s2] =	ssyncadd.s32 $0xFFFFF000  }
0x9d: {  	[spmem:s28] =	stream.linear.scatter [tilespmem:s7], [sflag:$0x1], $0x1000, $0x38;
	[tilespmem:$0x1CB08] =	vst v63  }
0x9e: {  	_ =	swait.ge [sflag:s2], $0x1000  }
0x9f: {  	[sflag:s2] =	ssyncset.done $0x0  }
0xa0: {  	[sflag:s2] =	ssyncadd.s32 $0xFFFFF000  }
0xa1: {  	[spmem:s29] =	stream.linear.scatter [tilespmem:s7], [sflag:$0x1], $0x1000, $0x38;
	[tilespmem:$0x1CB08] =	vst v63  }
0xa2: {  	_ =	swait.ge [sflag:s2], $0x1000  }
0xa3: {  	[sflag:s2] =	ssyncset.done $0x0  }
0xa4: {  	[sflag:s2] =	ssyncadd.s32 $0xFFFFF000  }
0xa5: {  	[spmem:s30] =	stream.linear.scatter [tilespmem:s7], [sflag:$0x1], $0x1000, $0x38;
	[tilespmem:$0x1CB08] =	vst v63  }
0xa6: {  	_ =	swait.ge [sflag:s2], $0x1000  }
0xa7: {  	[sflag:s2] =	ssyncset.done $0x0  }
0xa8: {  	[sflag:s2] =	ssyncadd.s32 $0xFFFFF000  }
0xa9: {  	[spmem:s31] =	stream.linear.scatter [tilespmem:s7], [sflag:$0x1], $0x1000, $0x38;
	[tilespmem:$0x1CB08] =	vst v63  }
0xaa: {  	_ =	swait.ge [sflag:s2], $0x1000  }
0xab: {  	[sflag:s2] =	ssyncset.done $0x0  }
0xac: {  	[sflag:s2] =	ssyncadd.s32 $0xFFFFF000  }
0xad: {  	[spmem:s0] =	stream.linear.scatter [tilespmem:s7], [sflag:$0x1], $0x1000, $0x38;
	[tilespmem:$0x1CB08] =	vst v63  }
0xae: {  	_ =	swait.ge [sflag:s2], $0x1000  }
0xaf: {  	[sflag:s2] =	ssyncset.done $0x0  }
0xb0: {  	s17 =	simm.s32 @!p0 $0x7980;
	s18 =	rddreg [dreg:$0x5];
	[sflag:s2] =	ssyncadd.s32 $0xFFFFF000  }
0xb1: {  	[spmem:s18] =	stream.linear.scatter @!p0 [tilespmem:s17], [sflag:$0x1], $0x40, $0x38;
	[tilespmem:$0x1CB08] =	vst v63  }
0xb2: {  	s17 =	simm.s32 @!p0 $0x1  }
.Ltmp4:
0xb3: {  	_ =	swait.ge @!p0 [sflag:s17], $0x40;
	(pc) =	sbr.rel .LBB2_6-.Ltmp4, $4  }
0xb4: {  	[sflag:s17] =	ssyncset.done @!p0 $0x0  }
0xb5: {  	[sflag:s17] =	ssyncadd.s32 @!p0 $0xFFFFFFC0  }
0xb6: {  	[bflag:$0x0] =	sbarrier.arrive $0xFFFF  }
0xb7: {  	s18 =	simm.s32 $0x0;
	s17 =	simm.s32 $0x0  }
.LBB2_23:
0xb8: {  	s18 =	sadd.s32 $0x1, s18  }
0xb9: {  	p1 =	sne.s32 s18, $0x28  }
.Ltmp5:
0xba: {  	_ = 	snop;
	(pc) =	sbr.rel @!p1 .LBB2_24-.Ltmp5, $2  }
0xbb: {  	_ =	sdelay $0x1  }
0xbc: {  	[bflag:$0x0] =	sbarrier.arrive $0xFFFF;
	_ =	sdelay $0x1  }
.LBB2_6:
0xbd: {  	s19 =	simm.s32 $0x0  }
0xbe: {  	s20 =	sshll.u32 s18, $0x1;
	v8 =	vld [tilespmem:s19+$0x2780]  }
0xbf: {  	s20 =	sor.u32 s4, s20  }
0xc0: {  	s21 =	sshll.u32 s20, $0x7  }
0xc1: {  	s22 =	sadd.s32 $0x80, s21  }
0xc2: {  	v6 =	vmov s21;
	v7 =	vmov s22  }
0xc3: {  	vm0 =	vge.s32 v8, v6;
	vm1 =	vlt.s32 v8, v7  }
0xc4: {  	vm0 =	vmand vm0, vm1  }
0xc5: {  	v9 =	vmpcnt.ones.xlane vm0;
	_ =	sdelay $0x1  }
0xc6: {  	v9 =	vxor.u32 $0x80000000, v9  }
0xc7: {  	(xrf0) =	vmax.scan.msk.u32 $0xffff, v9  }
0xc8: {  	v9 =	vld [tilespmem:s19+$0x0];
	_ =	sdelay $0x1  }
0xc9: {  	v8 =	vsub.s32 v8, v6  }
0xca: {  	v8 =	vmul.u32 $0x2800, v8;
	_ =	sdelay $0x1  }
0xcb: {  	v8 =	vadd.s32 v9, v8;
	v9, _, _ =	vpop (xrf0)  }
0xcc: {  	s22 =	simm.s32 $0x10;
	[tilespmem:s17+$0x4F00] =	vst.msk vm0, v8;
	(v2sf) =	vpush v9, $0xF  }
0xcd: {  	v8 =	vld [tilespmem:s22+$0x2780];
	_ =	sdelay $0x4  }
0xce: {  	vm0 =	vge.s32 v8, v6;
	vm1 =	vlt.s32 v8, v7  }
0xcf: {  	vm0 =	vmand vm0, vm1  }
0xd0: {  	v9 =	vmpcnt.ones.xlane vm0;
	_ =	sdelay $0x1  }
0xd1: {  	v9 =	vxor.u32 $0x80000000, v9  }
0xd2: {  	(xrf0) =	vmax.scan.msk.u32 $0xffff, v9  }
0xd3: {  	v9 =	vld [tilespmem:s22+$0x0];
	_ =	sdelay $0x1  }
0xd4: {  	v8 =	vsub.s32 v8, v6  }
0xd5: {  	v8 =	vmul.u32 $0x2800, v8;
	s23 =	spop (v2sf)  }
0xd6: {  	s24 =	sadd.s32 $0x0, s23  }
0xd7: {  	s19 =	simm.s32 $0x80;
	v8 =	vadd.s32 v9, v8;
	v9, _, _ =	vpop (xrf0);
	s22 =	sadd.s32 $0x80000000, s24  }
.LBB2_7:
0xd8: {  	s21 =	sshra.s32 s19, $0x2;
	p1 =	sne.s32 s19, $0x9C00;
	[tilespmem:s22+$0x4F00] =	vst.msk vm0, v8;
	(v2sf) =	vpush v9, $0xF;
	[smem:$0x0] =	sst s22  }
0xd9: {  	v8 =	vld [tilespmem:s21+$0x2780];
	_ =	sdelay $0x4  }
0xda: {  	vm0 =	vge.s32 v8, v6;
	vm1 =	vlt.s32 v8, v7;
	v8 =	vsub.s32 v8, v6  }
0xdb: {  	vm0 =	vmand vm0, vm1  }
0xdc: {  	v9 =	vmpcnt.ones.xlane vm0;
	_ =	sdelay $0x1  }
0xdd: {  	v9 =	vxor.u32 $0x80000000, v9  }
0xde: {  	(xrf0) =	vmax.scan.msk.u32 $0xffff, v9  }
0xdf: {  	v9 =	vld [tilespmem:s21+$0x0]  }
.Ltmp6:
0xe0: {  	(pc) =	sbr.rel @p1 .LBB2_7-.Ltmp6, $4  }
0xe1: {  	_ = 	snop  }
0xe2: {  	v8 =	vmul.u32 $0x2800, v8;
	s21 =	spop (v2sf)  }
0xe3: {  	s21 =	sadd.s32 s21, s22  }
0xe4: {  	s19 =	sadd.s32 $0x40, s19;
	v8 =	vadd.s32 v9, v8;
	v9, _, _ =	vpop (xrf0);
	s22 =	sadd.s32 $0x80000000, s21  }
0xe5: {  	(v2sf) =	vpush v9, $0xF;
	_ =	sdelay $0xe  }
0xe6: {  	s19 =	spop (v2sf)  }
0xe7: {  	s19 =	sadd.s32 s19, s22  }
0xe8: {  	s19 =	sadd.s32 $0x80000000, s19  }
0xe9: {  	s21 =	sadd.s32 $0xFF, s19  }
0xea: {  	s23 =	sand.u32 $0xFF, s21  }
0xeb: {  	s24 =	sshra.s32 s21, $0x1F;
	p2 =	slt.s32 s21, $0x1;
	p1 =	sne.s32 s23, $0x0  }
0xec: {  	s23 =	sshrl.u32 s24, $0x18;
	p1 =	por !p2, !p1  }
0xed: {  	s21 =	sadd.s32 s23, s21;
	s23 =	simm.s32 $0x1;
	p1 =	por !p1, !p1  }
0xee: {  	s21 =	sshra.s32 s21, $0x8;
	s23 =	simm.s32 @!p1 $0x0  }
0xef: {  	s21 =	ssub.s32 s21, s23  }
0xf0: {  	p1 =	slt.s32 s21, $0x1  }
.Ltmp7:
0xf1: {  	_ = 	snop;
	(pc) =	sbr.rel @p1 .LBB2_12-.Ltmp7, $3  }
0xf2: {  	_ =	sdelay $0x1  }
0xf3: {  	[smem:$0x0] =	sst s22  }
0xf4: {  	[tilespmem:s22+$0x4F00] =	vst.msk vm0, v8;
	s22 =	simm.s32 $0x4F80;
	[smem:$0x0] =	sst s19  }
0xf5: {  	v7 =	vld [tilespmem:s22+$0xFFFFFF80];
	_ =	sdelay $0x4  }
0xf6: {  	[tilespmem:$0x7680] =	vst v7  }
0xf7: {  	v7 =	vld [tilespmem:s22+$0xFFFFFF90];
	_ =	sdelay $0x4  }
0xf8: {  	[tilespmem:$0x7690] =	vst v7  }
0xf9: {  	v7 =	vld [tilespmem:s22+$0xFFFFFFA0];
	_ =	sdelay $0x4  }
0xfa: {  	[tilespmem:$0x76A0] =	vst v7  }
0xfb: {  	v7 =	vld [tilespmem:s22+$0xFFFFFFB0];
	_ =	sdelay $0x4  }
0xfc: {  	[tilespmem:$0x76B0] =	vst v7  }
0xfd: {  	v7 =	vld [tilespmem:s22+$0xFFFFFFC0];
	_ =	sdelay $0x4  }
0xfe: {  	[tilespmem:$0x76C0] =	vst v7  }
0xff: {  	v7 =	vld [tilespmem:s22+$0xFFFFFFD0];
	_ =	sdelay $0x4  }
0x100: {  	[tilespmem:$0x76D0] =	vst v7  }
0x101: {  	v7 =	vld [tilespmem:s22+$0xFFFFFFE0];
	_ =	sdelay $0x4  }
0x102: {  	[tilespmem:$0x76E0] =	vst v7  }
0x103: {  	v7 =	vld [tilespmem:s22+$0xFFFFFFF0];
	_ =	sdelay $0x4  }
0x104: {  	[tilespmem:$0x76F0] =	vst v7  }
0x105: {  	v7 =	vld [tilespmem:s22+$0x0];
	_ =	sdelay $0x4  }
0x106: {  	[tilespmem:$0x7700] =	vst v7  }
0x107: {  	v7 =	vld [tilespmem:s22+$0x10];
	_ =	sdelay $0x4  }
0x108: {  	[tilespmem:$0x7710] =	vst v7  }
0x109: {  	v7 =	vld [tilespmem:s22+$0x20];
	_ =	sdelay $0x4  }
0x10a: {  	[tilespmem:$0x7720] =	vst v7  }
0x10b: {  	v7 =	vld [tilespmem:s22+$0x30];
	_ =	sdelay $0x4  }
0x10c: {  	[tilespmem:$0x7730] =	vst v7  }
0x10d: {  	v7 =	vld [tilespmem:s22+$0x40];
	_ =	sdelay $0x4  }
0x10e: {  	[tilespmem:$0x7740] =	vst v7  }
0x10f: {  	v7 =	vld [tilespmem:s22+$0x50];
	_ =	sdelay $0x4  }
0x110: {  	[tilespmem:$0x7750] =	vst v7  }
0x111: {  	v7 =	vld [tilespmem:s22+$0x60];
	_ =	sdelay $0x4  }
0x112: {  	[tilespmem:$0x7760] =	vst v7  }
0x113: {  	v7 =	vld [tilespmem:s22+$0x70];
	_ =	sdelay $0x2  }
0x114: {  	p2 =	sne.s32 s21, $0x1  }
.Ltmp8:
0x115: {  	_ = 	snop;
	(pc) =	sbr.rel @!p2 .LBB2_11-.Ltmp8, $4  }
0x116: {  	[tilespmem:$0x7770] =	vst v7  }
0x117: {  	[spmem:s1] =	stream.indirect.scatter.add.f32 [tilespmem:s11], [sflag:$0x1], $0x1, s10, s8, $0xb8;
	[tilespmem:$0x1CB08] =	vst v63  }
0x118: {  	_ =	swait.ge [sflag:s2], $0x100  }
0x119: {  	s23 =	sadd.s32 $0xFFFFFFFF, s21;
	[sflag:s2] =	ssyncset.done $0x0  }
.LBB2_10:
0x11a: {  	p2 =	sne.s32 s23, $0x1;
	[sflag:s2] =	ssyncadd.s32 $0xFFFFFF00;
	s22 =	sadd.s32 $0x100, s22  }
0x11b: {  	s23 =	sadd.s32 $0xFFFFFFFF, s23;
	v7 =	vld [tilespmem:s22+$0xFFFFFF80];
	_ =	sdelay $0x4  }
0x11c: {  	[tilespmem:$0x7680] =	vst v7  }
0x11d: {  	v7 =	vld [tilespmem:s22+$0xFFFFFF90];
	_ =	sdelay $0x4  }
0x11e: {  	[tilespmem:$0x7690] =	vst v7  }
0x11f: {  	v7 =	vld [tilespmem:s22+$0xFFFFFFA0];
	_ =	sdelay $0x4  }
0x120: {  	[tilespmem:$0x76A0] =	vst v7  }
0x121: {  	v7 =	vld [tilespmem:s22+$0xFFFFFFB0];
	_ =	sdelay $0x4  }
0x122: {  	[tilespmem:$0x76B0] =	vst v7  }
0x123: {  	v7 =	vld [tilespmem:s22+$0xFFFFFFC0];
	_ =	sdelay $0x4  }
0x124: {  	[tilespmem:$0x76C0] =	vst v7  }
0x125: {  	v7 =	vld [tilespmem:s22+$0xFFFFFFD0];
	_ =	sdelay $0x4  }
0x126: {  	[tilespmem:$0x76D0] =	vst v7  }
0x127: {  	v7 =	vld [tilespmem:s22+$0xFFFFFFE0];
	_ =	sdelay $0x4  }
0x128: {  	[tilespmem:$0x76E0] =	vst v7  }
0x129: {  	v7 =	vld [tilespmem:s22+$0xFFFFFFF0];
	_ =	sdelay $0x4  }
0x12a: {  	[tilespmem:$0x76F0] =	vst v7  }
0x12b: {  	v7 =	vld [tilespmem:s22+$0x0];
	_ =	sdelay $0x4  }
0x12c: {  	[tilespmem:$0x7700] =	vst v7  }
0x12d: {  	v7 =	vld [tilespmem:s22+$0x10];
	_ =	sdelay $0x4  }
0x12e: {  	[tilespmem:$0x7710] =	vst v7  }
0x12f: {  	v7 =	vld [tilespmem:s22+$0x20];
	_ =	sdelay $0x4  }
0x130: {  	[tilespmem:$0x7720] =	vst v7  }
0x131: {  	v7 =	vld [tilespmem:s22+$0x30];
	_ =	sdelay $0x4  }
0x132: {  	[tilespmem:$0x7730] =	vst v7  }
0x133: {  	v7 =	vld [tilespmem:s22+$0x40];
	_ =	sdelay $0x4  }
0x134: {  	[tilespmem:$0x7740] =	vst v7  }
0x135: {  	v7 =	vld [tilespmem:s22+$0x50];
	_ =	sdelay $0x4  }
0x136: {  	[tilespmem:$0x7750] =	vst v7  }
0x137: {  	v7 =	vld [tilespmem:s22+$0x60];
	_ =	sdelay $0x4  }
0x138: {  	[tilespmem:$0x7760] =	vst v7  }
0x139: {  	v7 =	vld [tilespmem:s22+$0x70];
	_ =	sdelay $0x3  }
.Ltmp9:
0x13a: {  	(pc) =	sbr.rel @p2 .LBB2_10-.Ltmp9, $4  }
0x13b: {  	[tilespmem:$0x7770] =	vst v7  }
0x13c: {  	[spmem:s1] =	stream.indirect.scatter.add.f32 [tilespmem:s11], [sflag:$0x1], $0x1, s10, s8, $0xb8;
	[tilespmem:$0x1CB08] =	vst v63  }
0x13d: {  	_ =	swait.ge [sflag:s2], $0x100  }
0x13e: {  	[sflag:s2] =	ssyncset.done $0x0  }
.LBB2_11:
0x13f: {  	[sflag:s2] =	ssyncadd.s32 $0xFFFFFF00  }
.LBB2_12:
.Ltmp10:
0x140: {  	(pc) =	sbr.rel @p0 .LBB2_16-.Ltmp10, $1  }
0x141: {  	_ =	sdelay $0x3  }
0x142: {  	s22 =	simm.s32 $0x0  }
0x143: {  	v7 =	vmov s22  }
0x144: {  	v6 =	vor.u32 v2, v6;
	v7 =	vmul.u32 $0x2800, v7  }
0x145: {  	v8 =	vor.u32 s22, v6  }
0x146: {  	v7 =	vadd.s32 v8, v7  }
0x147: {  	vm0 =	vlt.u32 v8, $0x2710;
	v7 =	vadd.s32 v5, v7  }
0x148: {  	s23 =	simm.s32 $0x10;
	s22 =	simm.s32 $0x8980;
	v7 =	vsel vm0, v7, v4  }
.LBB2_14:
0x149: {  	v8 =	vmov s23;
	p2 =	sne.s32 s23, $0x70;
	[tilespmem:s22+$0x0] =	vst v7;
	s24 =	smov.u32 s23;
	s23 =	sadd.s32 $0x10, s23  }
.Ltmp11:
0x14a: {  	v7 =	vmul.u32 $0x2800, v8;
	(pc) =	sbr.rel @p2 .LBB2_14-.Ltmp11, $4  }
0x14b: {  	v8 =	vor.u32 s24, v6  }
0x14c: {  	v7 =	vadd.s32 v8, v7  }
0x14d: {  	vm0 =	vlt.u32 v8, $0x2710;
	v7 =	vadd.s32 v5, v7  }
0x14e: {  	s22 =	sadd.s32 $0x10, s22;
	v7 =	vsel vm0, v7, v4  }
0x14f: {  	[tilespmem:s22+$0x0] =	vst v7  }
0x150: {  	[spmem:s1] =	stream.indirect.scatter.add.f32 [tilespmem:s14], [sflag:$0x1], $0x1, s13, s12, $0xb8;
	[tilespmem:$0x1CB08] =	vst v63  }
0x151: {  	_ =	swait.ge [sflag:s2], $0x80  }
0x152: {  	[sflag:s2] =	ssyncset.done $0x0  }
0x153: {  	[sflag:s2] =	ssyncadd.s32 $0xFFFFFF80  }
.LBB2_16:
0x154: {  	s20 =	smul.u32 $0x140000, s20;
	_ =	sdelay $0x1  }
0x155: {  	s20 =	sadd.s32 s6, s20  }
0x156: {  	s22 =	sshll.u32 s3, $0x6;
	s20 =	sshrl.u32 s20, $0x3  }
0x157: {  	[bflag:$0x0] =	sbarrier.arrive $0xFFFF;
	s22 =	sor.u32 $0x1C01, s22;
	s20 =	sadd.s32 s5, s20  }
0x158: {  	[hbm:s20], [sflag:s22] =	dma.local [spmem:s25], $0x2800  }
.Ltmp12:
0x159: {  	_ =	swait.ge [sflag:s2], $0x2800;
	(pc) =	sbr.rel @p1 .LBB2_20-.Ltmp12, $4  }
0x15a: {  	[sflag:s2] =	ssyncset.done $0x0  }
0x15b: {  	[sflag:s2] =	ssyncadd.s32 $0xFFFFD800  }
0x15c: {  	[bflag:$0x0] =	sbarrier.arrive $0xFFFF  }
0x15d: {  	s20 =	simm.s32 $0x4F80  }
0x15e: {  	v6 =	vld [tilespmem:s20+$0xFFFFFF80];
	_ =	sdelay $0x4  }
0x15f: {  	[tilespmem:$0x7680] =	vst v6  }
0x160: {  	v6 =	vld [tilespmem:s20+$0xFFFFFF90];
	_ =	sdelay $0x4  }
0x161: {  	[tilespmem:$0x7690] =	vst v6  }
0x162: {  	v6 =	vld [tilespmem:s20+$0xFFFFFFA0];
	_ =	sdelay $0x4  }
0x163: {  	[tilespmem:$0x76A0] =	vst v6  }
0x164: {  	v6 =	vld [tilespmem:s20+$0xFFFFFFB0];
	_ =	sdelay $0x4  }
0x165: {  	[tilespmem:$0x76B0] =	vst v6  }
0x166: {  	v6 =	vld [tilespmem:s20+$0xFFFFFFC0];
	_ =	sdelay $0x4  }
0x167: {  	[tilespmem:$0x76C0] =	vst v6  }
0x168: {  	v6 =	vld [tilespmem:s20+$0xFFFFFFD0];
	_ =	sdelay $0x4  }
0x169: {  	[tilespmem:$0x76D0] =	vst v6  }
0x16a: {  	v6 =	vld [tilespmem:s20+$0xFFFFFFE0];
	_ =	sdelay $0x4  }
0x16b: {  	[tilespmem:$0x76E0] =	vst v6  }
0x16c: {  	v6 =	vld [tilespmem:s20+$0xFFFFFFF0];
	_ =	sdelay $0x4  }
0x16d: {  	[tilespmem:$0x76F0] =	vst v6  }
0x16e: {  	v6 =	vld [tilespmem:s20+$0x0];
	_ =	sdelay $0x4  }
0x16f: {  	[tilespmem:$0x7700] =	vst v6  }
0x170: {  	v6 =	vld [tilespmem:s20+$0x10];
	_ =	sdelay $0x4  }
0x171: {  	[tilespmem:$0x7710] =	vst v6  }
0x172: {  	v6 =	vld [tilespmem:s20+$0x20];
	_ =	sdelay $0x4  }
0x173: {  	[tilespmem:$0x7720] =	vst v6  }
0x174: {  	v6 =	vld [tilespmem:s20+$0x30];
	_ =	sdelay $0x4  }
0x175: {  	[tilespmem:$0x7730] =	vst v6  }
0x176: {  	v6 =	vld [tilespmem:s20+$0x40];
	_ =	sdelay $0x4  }
0x177: {  	[tilespmem:$0x7740] =	vst v6  }
0x178: {  	v6 =	vld [tilespmem:s20+$0x50];
	_ =	sdelay $0x4  }
0x179: {  	[tilespmem:$0x7750] =	vst v6  }
0x17a: {  	v6 =	vld [tilespmem:s20+$0x60];
	_ =	sdelay $0x4  }
0x17b: {  	[tilespmem:$0x7760] =	vst v6  }
0x17c: {  	v6 =	vld [tilespmem:s20+$0x70];
	_ =	sdelay $0x2  }
0x17d: {  	p1 =	sne.s32 s21, $0x1  }
.Ltmp13:
0x17e: {  	_ = 	snop;
	(pc) =	sbr.rel @!p1 .LBB2_19-.Ltmp13, $4  }
0x17f: {  	[tilespmem:$0x7770] =	vst v6  }
0x180: {  	[spmem:s1] =	stream.indirect.scatter.add.f32 [tilespmem:s15], [sflag:$0x1], $0x1, s10, s8, $0xb8;
	[tilespmem:$0x1CB08] =	vst v63  }
0x181: {  	_ =	swait.ge [sflag:s2], $0x100  }
0x182: {  	s21 =	sadd.s32 $0xFFFFFFFF, s21;
	[sflag:s2] =	ssyncset.done $0x0  }
.LBB2_18:
0x183: {  	p1 =	sne.s32 s21, $0x1;
	[sflag:s2] =	ssyncadd.s32 $0xFFFFFF00;
	s20 =	sadd.s32 $0x100, s20  }
0x184: {  	s21 =	sadd.s32 $0xFFFFFFFF, s21;
	v6 =	vld [tilespmem:s20+$0xFFFFFF80];
	_ =	sdelay $0x4  }
0x185: {  	[tilespmem:$0x7680] =	vst v6  }
0x186: {  	v6 =	vld [tilespmem:s20+$0xFFFFFF90];
	_ =	sdelay $0x4  }
0x187: {  	[tilespmem:$0x7690] =	vst v6  }
0x188: {  	v6 =	vld [tilespmem:s20+$0xFFFFFFA0];
	_ =	sdelay $0x4  }
0x189: {  	[tilespmem:$0x76A0] =	vst v6  }
0x18a: {  	v6 =	vld [tilespmem:s20+$0xFFFFFFB0];
	_ =	sdelay $0x4  }
0x18b: {  	[tilespmem:$0x76B0] =	vst v6  }
0x18c: {  	v6 =	vld [tilespmem:s20+$0xFFFFFFC0];
	_ =	sdelay $0x4  }
0x18d: {  	[tilespmem:$0x76C0] =	vst v6  }
0x18e: {  	v6 =	vld [tilespmem:s20+$0xFFFFFFD0];
	_ =	sdelay $0x4  }
0x18f: {  	[tilespmem:$0x76D0] =	vst v6  }
0x190: {  	v6 =	vld [tilespmem:s20+$0xFFFFFFE0];
	_ =	sdelay $0x4  }
0x191: {  	[tilespmem:$0x76E0] =	vst v6  }
0x192: {  	v6 =	vld [tilespmem:s20+$0xFFFFFFF0];
	_ =	sdelay $0x4  }
0x193: {  	[tilespmem:$0x76F0] =	vst v6  }
0x194: {  	v6 =	vld [tilespmem:s20+$0x0];
	_ =	sdelay $0x4  }
0x195: {  	[tilespmem:$0x7700] =	vst v6  }
0x196: {  	v6 =	vld [tilespmem:s20+$0x10];
	_ =	sdelay $0x4  }
0x197: {  	[tilespmem:$0x7710] =	vst v6  }
0x198: {  	v6 =	vld [tilespmem:s20+$0x20];
	_ =	sdelay $0x4  }
0x199: {  	[tilespmem:$0x7720] =	vst v6  }
0x19a: {  	v6 =	vld [tilespmem:s20+$0x30];
	_ =	sdelay $0x4  }
0x19b: {  	[tilespmem:$0x7730] =	vst v6  }
0x19c: {  	v6 =	vld [tilespmem:s20+$0x40];
	_ =	sdelay $0x4  }
0x19d: {  	[tilespmem:$0x7740] =	vst v6  }
0x19e: {  	v6 =	vld [tilespmem:s20+$0x50];
	_ =	sdelay $0x4  }
0x19f: {  	[tilespmem:$0x7750] =	vst v6  }
0x1a0: {  	v6 =	vld [tilespmem:s20+$0x60];
	_ =	sdelay $0x4  }
0x1a1: {  	[tilespmem:$0x7760] =	vst v6  }
0x1a2: {  	v6 =	vld [tilespmem:s20+$0x70];
	_ =	sdelay $0x3  }
.Ltmp14:
0x1a3: {  	(pc) =	sbr.rel @p1 .LBB2_18-.Ltmp14, $4  }
0x1a4: {  	[tilespmem:$0x7770] =	vst v6  }
0x1a5: {  	[spmem:s1] =	stream.indirect.scatter.add.f32 [tilespmem:s15], [sflag:$0x1], $0x1, s10, s8, $0xb8;
	[tilespmem:$0x1CB08] =	vst v63  }
0x1a6: {  	_ =	swait.ge [sflag:s2], $0x100  }
0x1a7: {  	[sflag:s2] =	ssyncset.done $0x0  }
.LBB2_19:
0x1a8: {  	[sflag:s2] =	ssyncadd.s32 $0xFFFFFF00  }
.LBB2_20:
0x1a9: {  	s20 =	simm.s32 @!p0 $0x80  }
0x1aa: {  	s21 =	simm.s32 @!p0 $0x8980;
	s22 =	simm.s32 @!p0 $0x8A80;
	s19 =	sadd.s32 $0xF, s19  }
0x1ab: {  	[spmem:s1] =	stream.indirect.scatter.add.f32 @!p0 [tilespmem:s22], [sflag:$0x1], $0x1, s21, s20, $0xb8;
	[tilespmem:$0x1CB08] =	vst v63  }
0x1ac: {  	s22 =	sand.u32 $0xF, s19  }
0x1ad: {  	s23 =	sshra.s32 s19, $0x1F;
	p1 =	slt.s32 s19, $0x1;
	p2 =	sne.s32 s22, $0x0  }
0x1ae: {  	s24 =	sshrl.u32 s23, $0x1C;
	p1 =	por !p1, !p2  }
0x1af: {  	s20 =	simm.s32 $0x1;
	s19 =	sadd.s32 s24, s19;
	p1 =	por !p1, !p1  }
0x1b0: {  	s19 =	sshra.s32 s19, $0x4;
	s20 =	simm.s32 @!p1 $0x0  }
0x1b1: {  	s20 =	ssub.s32 s19, s20  }
0x1b2: {  	p1 =	slt.s32 s20, $0x1  }
.Ltmp15:
0x1b3: {  	_ = 	snop;
	(pc) =	sbr.rel @p1 .LBB2_23-.Ltmp15, $4  }
0x1b4: {  	s21 =	simm.s32 @!p0 $0x1  }
0x1b5: {  	_ =	swait.ge @!p0 [sflag:s21], $0x80  }
0x1b6: {  	[sflag:s21] =	ssyncset.done @!p0 $0x0  }
0x1b7: {  	[sflag:s21] =	ssyncadd.s32 @!p0 $0xFFFFFF80;
	s19 =	simm.s32 $0x4F00  }
0x1b8: {  	p1 =	sne.s32 s20, $0x1  }
.Ltmp16:
0x1b9: {  	_ = 	snop;
	(pc) =	sbr.rel @!p1 .LBB2_23-.Ltmp16, $2  }
0x1ba: {  	_ =	sdelay $0x2  }
0x1bb: {  	s20 =	sadd.s32 $0xFFFFFFFF, s20;
	[tilespmem:s19+$0x0] =	vst v4  }
.LBB2_22:
0x1bc: {  	p1 =	sne.s32 s20, $0x1  }
.Ltmp17:
0x1bd: {  	_ = 	snop;
	(pc) =	sbr.rel @p1 .LBB2_22-.Ltmp17, $3  }
0x1be: {  	_ =	sdelay $0x1  }
0x1bf: {  	s20 =	sadd.s32 $0xFFFFFFFF, s20;
	s19 =	sadd.s32 $0x10, s19  }
0x1c0: {  	[tilespmem:s19+$0x0] =	vst v4  }
.Ltmp18:
0x1c1: {  	_ = 	snop;
	(pc) =	sbr.rel .LBB2_23-.Ltmp18, $1  }
0x1c2: {  	_ =	sdelay $0x3  }
.LBB2_25:
0x1c3: {  	_ =	sfence.sel $0x180000  }
0x1c4: {  	[bflag:$0x0] =	sbarrier.arrive $0xFFFF  }
0x1c5: {  	_ =	strace $0x90000047  }
0x1c6: {  	[bflag:$0x2] =	sbarrier.arrive $0xFFFF  }
0x1c7: {  	s0 =	rddreg [dreg:$0x2]  }
0x1c8: {  	s0 =	sadd.s32 @!p0 $0x100000, s0  }
0x1c9: {  	[sflag:s0] =	ssyncadd.tile.s32 @!p0 $0x1;
	_ =	shalt  }
.Lfunc_end2:
_tile_overlayer_lowered:
.L_overlay_start_2:
0x1ca: {  	(tag) =	ssettag $0x2  }
0x1cb: {  	s0 =	rddreg [dreg:$0x0];
	s2 =	stileid.u32  }
0x1cc: {  	s1 =	rddreg [dreg:$0x1];
	p0 =	sne.s32 s2, $0x0  }
0x1cd: {  	s3 =	rddreg [dreg:$0x2];
	[bflag:$0x3] =	sbarrier.arrive $0xFFFF;
	s2 =	simm.s32 @!p0 $0x1C01  }
0x1ce: {  	[timem:s3], [sflag:s2] =	dma.local @!p0 [hbm:s0], s1  }
0x1cf: {  	s0 =	simm.s32 @!p0 $0x1  }
0x1d0: {  	_ =	swait.ge @!p0 [sflag:s0], s1  }
0x1d1: {  	s1 =	ssub.s32 @!p0 $0x0, s1;
	[sflag:s0] =	ssyncset.done @!p0 $0x0  }
0x1d2: {  	[sflag:s0] =	ssyncadd.s32 @!p0 s1  }
0x1d3: {  	[bflag:$0x3] =	sbarrier.arrive $0xFFFF  }
0x1d4: {  	_ =	shalt  }

</sc_bundles>
